<compile_context>
chip_gen: v7x
topology: tpu7x:2x2x1
jax: 0.10.2.dev20260603
libtpu: 0.0.44.dev20260713+nightly
codegen_flags: <defaults>
</compile_context>

<pallas_src>
import functools

import jax
import jax.numpy as jnp
from jax import lax
from jax.experimental import pallas as pl
from jax.experimental.pallas import tpu as pltpu
from jax.experimental.pallas import tpu_sc as plsc

B = 16384
D = 64
BLK = 8192
NBLK = B // BLK
CH = 2048

_NC = 2
_NS = 16
_NW = _NC * _NS
_BPW = B // _NW
_CHUNK = 128
_NCHUNK = _BPW // _CHUNK


def _gather_body(u_tab, v_tab, iu_hbm, iv_hbm, euv_out,
                 iu_v, iv_v, ru_v, rv_v, sem_u, sem_v):
    wid = lax.axis_index("s") * _NC + lax.axis_index("c")
    base = wid * _BPW
    pltpu.sync_copy(iu_hbm.at[pl.ds(wid * _NCHUNK, _NCHUNK), :], iu_v)
    pltpu.sync_copy(iv_hbm.at[pl.ds(wid * _NCHUNK, _NCHUNK), :], iv_v)
    cps = []
    for j in range(_NCHUNK):
        cps.append(pltpu.async_copy(
            u_tab.at[iu_v.at[j]], ru_v.at[pl.ds(j * _CHUNK, _CHUNK)], sem_u))
        cps.append(pltpu.async_copy(
            v_tab.at[iv_v.at[j]], rv_v.at[pl.ds(j * _CHUNK, _CHUNK)], sem_v))
    for c in cps:
        c.wait()
    pltpu.sync_copy(ru_v, euv_out.at[pl.ds(base, _BPW), pl.ds(0, D)])
    pltpu.sync_copy(rv_v, euv_out.at[pl.ds(base, _BPW), pl.ds(D, D)])


def _make_gather():
    mesh = plsc.VectorSubcoreMesh(core_axis_name="c", subcore_axis_name="s")
    return functools.partial(
        pl.kernel,
        mesh=mesh,
        out_type=jax.ShapeDtypeStruct((B, 2 * D), jnp.float32),
        scratch_types=[
            pltpu.VMEM((_NCHUNK, _CHUNK), jnp.int32),
            pltpu.VMEM((_NCHUNK, _CHUNK), jnp.int32),
            pltpu.VMEM((_BPW, D), jnp.float32),
            pltpu.VMEM((_BPW, D), jnp.float32),
            pltpu.SemaphoreType.DMA,
            pltpu.SemaphoreType.DMA,
        ],
        compiler_params=pltpu.CompilerParams(use_tc_tiling_on_sc=False),
    )(_gather_body)


def _dense_body(xuv_ref,
                wur1_ref, wur2_ref, wvr1_ref, wvr2_ref, wuv1_ref, wuv2_ref,
                wuv3_ref, wuv10_ref, wuv20_ref, gw_ref,
                bur1_ref, bur2_ref, bvr1_ref, bvr2_ref, buv1_ref, buv2_ref,
                buv3_ref, buv10_ref, buv20_ref,
                g1_ref, bb1_ref, g2_ref, bb2_ref, g3_ref, bb3_ref,
                g4_ref, bb4_ref, g30_ref, bb30_ref, g40_ref, bb40_ref,
                out_ref, y_s, z_s, w0_s, st0, st1, st2):
    s = pl.program_id(0)
    eps = 1e-5
    bf16 = jnp.bfloat16
    f32 = jnp.float32

    @pl.when(s == 0)
    def _():
        st0[0:2, :] = jnp.zeros((2, 192), f32)
        st1[0:2, :] = jnp.zeros((2, 80), f32)
        st2[0:2, :] = jnp.zeros((2, 16), f32)
        z64 = jnp.zeros((D, D), bf16)
        w10 = wuv10_ref[...].astype(bf16)
        w0_s[0:D, :] = jnp.concatenate(
            [wur1_ref[...].astype(bf16), z64, w10[0:D]], axis=1)
        w0_s[D:2 * D, :] = jnp.concatenate(
            [z64, wvr1_ref[...].astype(bf16), w10[D:2 * D]], axis=1)
        st0[4:5, :] = jnp.concatenate(
            [bur1_ref[...], bvr1_ref[...], buv10_ref[...]], axis=1)

    @pl.when(s < NBLK)
    def _():
        w0 = w0_s[...]
        b0 = st0[4:5, :]

        def p0(j, _):
            xuv = xuv_ref[pl.ds(j * CH, CH), :]
            y = jnp.dot(xuv.astype(bf16), w0, preferred_element_type=f32) + b0
            y_s[pl.ds(s * BLK + j * CH, CH), :] = y
            st0[0:1, :] += jnp.sum(y, axis=0, keepdims=True)
            st0[1:2, :] += jnp.sum(y * y, axis=0, keepdims=True)
            return 0

        lax.fori_loop(0, BLK // CH, p0, 0)

    @pl.when(s == NBLK)
    def _():
        m = st0[0:1, :] * (1.0 / B)
        v = st0[1:2, :] * (1.0 / B) - m * m
        g = jnp.concatenate([g1_ref[...], g2_ref[...], g30_ref[...]], axis=1)
        bb = jnp.concatenate([bb1_ref[...], bb2_ref[...], bb30_ref[...]], axis=1)
        sc = g / jnp.sqrt(v + eps)
        st0[2:3, :] = sc
        st0[3:4, :] = bb - m * sc

    @pl.when((s >= NBLK) & (s < 2 * NBLK))
    def _():
        i = s - NBLK
        w13 = jnp.concatenate([
            jnp.dot(wur2_ref[...], wuv1_ref[0:D, :], preferred_element_type=f32),
            jnp.dot(wvr2_ref[...], wuv1_ref[D:2 * D, :], preferred_element_type=f32),
        ], axis=0)
        b13 = (jnp.dot(bur2_ref[...], wuv1_ref[0:D, :], preferred_element_type=f32)
               + jnp.dot(bvr2_ref[...], wuv1_ref[D:2 * D, :], preferred_element_type=f32)
               + buv1_ref[...])
        w2 = jnp.concatenate([
            jnp.concatenate([w13, jnp.zeros((2 * D, 16), f32)], axis=1),
            jnp.concatenate([jnp.zeros((D, D), f32), wuv20_ref[...]], axis=1),
        ], axis=0).astype(bf16)
        b2 = jnp.concatenate([b13, buv20_ref[...]], axis=1)
        sc = st0[2:3, :]
        sh = st0[3:4, :]

        def p1(j, _):
            y = y_s[pl.ds(i * BLK + j * CH, CH), :]
            t = jnp.maximum(y * sc + sh, 0.0)
            z = jnp.dot(t.astype(bf16), w2, preferred_element_type=f32) + b2
            z_s[pl.ds(i * BLK + j * CH, CH), 0:80] = z
            st1[0:1, :] += jnp.sum(z, axis=0, keepdims=True)
            st1[1:2, :] += jnp.sum(z * z, axis=0, keepdims=True)
            return 0

        lax.fori_loop(0, BLK // CH, p1, 0)

    @pl.when(s == 2 * NBLK)
    def _():
        m = st1[0:1, :] * (1.0 / B)
        v = st1[1:2, :] * (1.0 / B) - m * m
        g = jnp.concatenate([g3_ref[...], g40_ref[...]], axis=1)
        bb = jnp.concatenate([bb3_ref[...], bb40_ref[...]], axis=1)
        scv = g / jnp.sqrt(v + eps)
        st1[2:3, :] = scv
        st1[3:4, :] = bb - m * scv
        sc3 = scv[:, 0:64]
        sh3 = (bb - m * scv)[:, 0:64]
        w3 = wuv2_ref[...].astype(bf16)
        b3 = buv2_ref[...]

        def p2(j, _):
            z3 = z_s[pl.ds(j * CH, CH), 0:64]
            t3 = jnp.maximum(z3 * sc3 + sh3, 0.0)
            y4 = jnp.dot(t3.astype(bf16), w3, preferred_element_type=f32) + b3
            z_s[pl.ds(j * CH, CH), 80:96] = y4
            st2[0:1, :] += jnp.sum(y4, axis=0, keepdims=True)
            st2[1:2, :] += jnp.sum(y4 * y4, axis=0, keepdims=True)
            return 0

        lax.fori_loop(0, B // CH, p2, 0)

    @pl.when(s == 2 * NBLK + 1)
    def _():
        m = st2[0:1, :] * (1.0 / B)
        v = st2[1:2, :] * (1.0 / B) - m * m
        sc4 = g4_ref[...] / jnp.sqrt(v + eps)
        sh4 = bb4_ref[...] - m * sc4
        sc40 = st1[2:3, 64:80]
        sh40 = st1[3:4, 64:80]
        z16 = jnp.zeros((16, 1), f32)
        w4 = jnp.concatenate([
            gw_ref[...],
            jnp.concatenate([wuv3_ref[...], z16], axis=0),
            jnp.concatenate([z16, wuv3_ref[...]], axis=0),
        ], axis=1).astype(bf16)
        b_out = buv3_ref[...]

        def p3(j, _):
            y4 = z_s[pl.ds(j * CH, CH), 80:96]
            x = jnp.maximum(y4 * sc4 + sh4, 0.0)
            z40 = z_s[pl.ds(j * CH, CH), 64:80]
            x0 = jnp.maximum(z40 * sc40 + sh40, 0.0)
            xx = jnp.concatenate([x, x0], axis=1)
            r = jnp.dot(xx.astype(bf16), w4, preferred_element_type=f32)
            e = jnp.exp(r[:, 0:2])
            e0 = e[:, 0:1]
            e1 = e[:, 1:2]
            out_ref[pl.ds(j * CH, CH), :] = (
                (e0 * r[:, 2:3] + e1 * r[:, 3:4]) / (e0 + e1) + b_out)
            return 0

        lax.fori_loop(0, B // CH, p3, 0)


def _dense_call(xuv, weights):
    full = lambda arr: pl.BlockSpec(arr.shape, lambda s: tuple(0 for _ in arr.shape))
    in_specs = [
        pl.BlockSpec((BLK, 2 * D), lambda s: (jnp.minimum(s, NBLK - 1), 0)),
    ] + [full(w) for w in weights]
    return pl.pallas_call(
        _dense_body,
        grid=(2 * NBLK + 2,),
        in_specs=in_specs,
        out_specs=pl.BlockSpec((B, 1), lambda s: (0, 0)),
        out_shape=jax.ShapeDtypeStruct((B, 1), jnp.float32),
        scratch_shapes=[
            pltpu.VMEM((B, 192), jnp.float32),
            pltpu.VMEM((B, 96), jnp.float32),
            pltpu.VMEM((2 * D, 192), jnp.bfloat16),
            pltpu.VMEM((5, 192), jnp.float32),
            pltpu.VMEM((4, 80), jnp.float32),
            pltpu.VMEM((4, 16), jnp.float32),
        ],
        compiler_params=pltpu.CompilerParams(
            dimension_semantics=("arbitrary",)),
    )(xuv, *weights)


def kernel(nodes_u, nodes_v, labels_list, U_table, V_table,
           W_ur1, b_ur1, W_ur2, b_ur2, W_vr1, b_vr1, W_vr2, b_vr2,
           W_uv1, b_uv1, W_uv2, b_uv2, W_uv3, b_uv3,
           W_uv10, b_uv10, W_uv20, b_uv20, gate_w,
           g_bn1, b_bn1, g_bn2, b_bn2, g_bn3, b_bn3, g_bn4, b_bn4,
           g_bn30, b_bn30, g_bn40, b_bn40):
    nu = nodes_u.astype(jnp.int32).reshape(_NW * _NCHUNK, _CHUNK)
    nv = nodes_v.astype(jnp.int32).reshape(_NW * _NCHUNK, _CHUNK)
    xuv = _make_gather()(U_table, V_table, nu, nv)
    row = lambda a: a.reshape(1, -1)
    weights = (
        W_ur1, W_ur2, W_vr1, W_vr2, W_uv1, W_uv2, W_uv3, W_uv10, W_uv20,
        gate_w,
        row(b_ur1), row(b_ur2), row(b_vr1), row(b_vr2), row(b_uv1),
        row(b_uv2), row(b_uv3), row(b_uv10), row(b_uv20),
        row(g_bn1), row(b_bn1), row(g_bn2), row(b_bn2), row(g_bn3),
        row(b_bn3), row(g_bn4), row(b_bn4), row(g_bn30), row(b_bn30),
        row(g_bn40), row(b_bn40),
    )
    scores = _dense_call(xuv, weights)
    return scores[:, 0]

# --- scband reference (transcript-rebuilt; emitter-appended) ---
"""Pipeline reference for scband-graph-session-74431783239701 (READ-ONLY COPY).

The authoritative reference and input builder live on the scoring server;
editing this copy changes nothing except your own understanding.
"""

import jax, jax.numpy as jnp
import numpy as np

B = 16384
D = 64
VOCAB = 100000

def _bn(x, g, b):
    m = jnp.mean(x, axis=0, keepdims=True)
    v = jnp.var(x, axis=0, keepdims=True)
    return (x - m) / jnp.sqrt(v + 1e-5) * g + b

def setup_inputs(seed: int = 0):
    key = jax.random.key(seed)
    ks = jax.random.split(key, 40)
    stdv = 1.0 / np.sqrt(D)
    def u(k, shape):
        return jax.random.uniform(k, shape, jnp.float32, -stdv, stdv)
    inp = {}
    inp["nodes_u"] = jax.random.randint(ks[0], (B,), 0, VOCAB)
    inp["nodes_v"] = jax.random.randint(ks[1], (B,), 0, VOCAB)
    inp["labels_list"] = (jax.random.uniform(ks[2], (B,)) > 0.5).astype(jnp.float32)
    inp["U_table"] = u(ks[3], (VOCAB, D))
    inp["V_table"] = u(ks[4], (VOCAB, D))
    names = [("W_ur1", (D, D)), ("b_ur1", (D,)), ("W_ur2", (D, D)), ("b_ur2", (D,)),
             ("W_vr1", (D, D)), ("b_vr1", (D,)), ("W_vr2", (D, D)), ("b_vr2", (D,)),
             ("W_uv1", (2 * D, D)), ("b_uv1", (D,)), ("W_uv2", (D, 16)), ("b_uv2", (16,)),
             ("W_uv3", (16, 1)), ("b_uv3", (1,)), ("W_uv10", (2 * D, D)), ("b_uv10", (D,)),
             ("W_uv20", (D, 16)), ("b_uv20", (16,)), ("gate_w", (32, 2))]
    for j, (n, s) in enumerate(names):
        inp[n] = u(ks[5 + j], s)
    for n, dim in [("bn1", D), ("bn2", D), ("bn3", D), ("bn4", 16), ("bn30", D), ("bn40", 16)]:
        inp["g_" + n] = jnp.ones((dim,), jnp.float32)
        inp["b_" + n] = jnp.zeros((dim,), jnp.float32)
    return inp

def reference(nodes_u, nodes_v, labels_list, U_table, V_table,
              W_ur1, b_ur1, W_ur2, b_ur2, W_vr1, b_vr1, W_vr2, b_vr2,
              W_uv1, b_uv1, W_uv2, b_uv2, W_uv3, b_uv3,
              W_uv10, b_uv10, W_uv20, b_uv20, gate_w,
              g_bn1, b_bn1, g_bn2, b_bn2, g_bn3, b_bn3, g_bn4, b_bn4,
              g_bn30, b_bn30, g_bn40, b_bn40):
    # flag == 1 path of Graph_Session.forward
    eu = jnp.take(U_table, nodes_u, axis=0)   # enc_u(nodes_u)
    ev = jnp.take(V_table, nodes_v, axis=0)   # enc_v_history(nodes_v)
    x_u = jax.nn.relu(_bn(eu @ W_ur1 + b_ur1, g_bn1, b_bn1))
    x_u = x_u @ W_ur2 + b_ur2
    x_v = jax.nn.relu(_bn(ev @ W_vr1 + b_vr1, g_bn2, b_bn2))
    x_v = x_v @ W_vr2 + b_vr2
    x_uv = jnp.concatenate([x_u, x_v], axis=1)
    x = jax.nn.relu(_bn(x_uv @ W_uv1 + b_uv1, g_bn3, b_bn3))
    x = jax.nn.relu(_bn(x @ W_uv2 + b_uv2, g_bn4, b_bn4))
    x_uv0 = jnp.concatenate([eu, ev], axis=1)
    x0 = jax.nn.relu(_bn(x_uv0 @ W_uv10 + b_uv10, g_bn30, b_bn30))
    x0 = jax.nn.relu(_bn(x0 @ W_uv20 + b_uv20, g_bn40, b_bn40))
    gate = jax.nn.softmax(jnp.concatenate([x, x0], axis=1) @ gate_w, axis=1)
    x_f = gate[:, 0:1] * x + gate[:, 1:2] * x0
    scores_r = (x_f @ W_uv3 + b_uv3)[:, 0]
    return scores_r

if __name__ == "__main__":
    import jax
    _d = setup_inputs()
    print(jax.jit(kernel)(*tuple(_d.values())))

</pallas_src>

<mosaic_0001>
#map = affine_map<(d0, d1) -> (0, 0)>
module attributes {stable_mosaic.version = 14 : i64} {
  func.func @_gather_body(%arg0: i32, %arg1: i32, %arg2: memref<100000x64xf32, #tpu.memory_space<hbm>>, %arg3: memref<100000x64xf32, #tpu.memory_space<hbm>>, %arg4: memref<128x128xi32, #tpu.memory_space<hbm>>, %arg5: memref<128x128xi32, #tpu.memory_space<hbm>>, %arg6: memref<16384x128xf32, #tpu.memory_space<hbm>>, %arg7: memref<4x128xi32, #tpu.memory_space<vmem>>, %arg8: memref<4x128xi32, #tpu.memory_space<vmem>>, %arg9: memref<512x64xf32, #tpu.memory_space<vmem>>, %arg10: memref<512x64xf32, #tpu.memory_space<vmem>>, %arg11: memref<!tpu.dma_semaphore, #tpu.memory_space<semaphore_mem>>, %arg12: memref<!tpu.dma_semaphore, #tpu.memory_space<semaphore_mem>>) attributes {dimension_semantics = [#tpu.dimension_semantics<core_parallel>, #tpu.dimension_semantics<subcore_parallel>], iteration_bounds = array<i64: 2, 16>, scalar_prefetch = 0 : i64, scratch_operands = 6 : i64, tpu.core_type = #tpu.core_type<sc_vector_subcore>, window_params = [{transform_indices = #map}, {transform_indices = #map}, {transform_indices = #map}, {transform_indices = #map}, {transform_indices = #map}]} {
    %mul3A = arith.constant 2 : i32
    %mul3A_0 = arith.muli %arg1, %mul3A : i32
    %add3A = arith.addi %mul3A_0, %arg0 : i32
    %mul3A_1 = arith.constant 512 : i32
    %mul3A_2 = arith.muli %add3A, %mul3A_1 : i32
    %mul3A_3 = arith.constant 4 : i32
    %mul3A_4 = arith.muli %add3A, %mul3A_3 : i32
    "tpu.region"() ({
      %run_scoped3A = tpu.sem_alloc : memref<!tpu.dma_semaphore, #tpu.memory_space<semaphore_mem>>
      %dma_start3A_165 = arith.constant 0 : i32
      %dma_start3A_166 = tpu.memref_slice %arg4[%mul3A_4, %dma_start3A_165] : memref<128x128xi32, #tpu.memory_space<hbm>> -> memref<4x128xi32, #tpu.memory_space<hbm>>
      %dma_start3A_167 = arith.constant 0 : i32
      %dma_start3A_168 = tpu.memref_slice %arg4[%mul3A_4, %dma_start3A_167] : memref<128x128xi32, #tpu.memory_space<hbm>> -> memref<4x128xi32, #tpu.memory_space<hbm>>
      tpu.enqueue_dma source(%dma_start3A_168 : memref<4x128xi32, #tpu.memory_space<hbm>>) target(%arg7 : memref<4x128xi32, #tpu.memory_space<vmem>>) target_semaphore(%run_scoped3A : memref<!tpu.dma_semaphore, #tpu.memory_space<semaphore_mem>>)
      %dma_wait3A_169 = arith.constant 0 : i32
      %dma_wait3A_170 = tpu.memref_slice %arg4[%mul3A_4, %dma_wait3A_169] : memref<128x128xi32, #tpu.memory_space<hbm>> -> memref<4x128xi32, #tpu.memory_space<hbm>>
      %dma_wait3A_171 = arith.constant 0 : i32
      %dma_wait3A_172 = tpu.memref_slice %arg4[%mul3A_4, %dma_wait3A_171] : memref<128x128xi32, #tpu.memory_space<hbm>> -> memref<4x128xi32, #tpu.memory_space<hbm>>
      tpu.wait_dma2 semaphore(%run_scoped3A : memref<!tpu.dma_semaphore, #tpu.memory_space<semaphore_mem>>) src(%dma_wait3A_172 : memref<4x128xi32, #tpu.memory_space<hbm>>) dst(%arg7 : memref<4x128xi32, #tpu.memory_space<vmem>>)
      tpu.yield
    }) : () -> ()
    %mul3A_5 = arith.constant 4 : i32
    %mul3A_6 = arith.muli %add3A, %mul3A_5 : i32
    "tpu.region"() ({
      %run_scoped3A = tpu.sem_alloc : memref<!tpu.dma_semaphore, #tpu.memory_space<semaphore_mem>>
      %dma_start3A_165 = arith.constant 0 : i32
      %dma_start3A_166 = tpu.memref_slice %arg5[%mul3A_6, %dma_start3A_165] : memref<128x128xi32, #tpu.memory_space<hbm>> -> memref<4x128xi32, #tpu.memory_space<hbm>>
      %dma_start3A_167 = arith.constant 0 : i32
      %dma_start3A_168 = tpu.memref_slice %arg5[%mul3A_6, %dma_start3A_167] : memref<128x128xi32, #tpu.memory_space<hbm>> -> memref<4x128xi32, #tpu.memory_space<hbm>>
      tpu.enqueue_dma source(%dma_start3A_168 : memref<4x128xi32, #tpu.memory_space<hbm>>) target(%arg8 : memref<4x128xi32, #tpu.memory_space<vmem>>) target_semaphore(%run_scoped3A : memref<!tpu.dma_semaphore, #tpu.memory_space<semaphore_mem>>)
      %dma_wait3A_169 = arith.constant 0 : i32
      %dma_wait3A_170 = tpu.memref_slice %arg5[%mul3A_6, %dma_wait3A_169] : memref<128x128xi32, #tpu.memory_space<hbm>> -> memref<4x128xi32, #tpu.memory_space<hbm>>
      %dma_wait3A_171 = arith.constant 0 : i32
      %dma_wait3A_172 = tpu.memref_slice %arg5[%mul3A_6, %dma_wait3A_171] : memref<128x128xi32, #tpu.memory_space<hbm>> -> memref<4x128xi32, #tpu.memory_space<hbm>>
      tpu.wait_dma2 semaphore(%run_scoped3A : memref<!tpu.dma_semaphore, #tpu.memory_space<semaphore_mem>>) src(%dma_wait3A_172 : memref<4x128xi32, #tpu.memory_space<hbm>>) dst(%arg8 : memref<4x128xi32, #tpu.memory_space<vmem>>)
      tpu.yield
    }) : () -> ()
    %dma_start3A = arith.constant 0 : i32
    %dma_start3A_7 = arith.constant 0 : i32
    %dma_start3A_8 = arith.constant 0 : i32
    %dma_start3A_9 = tpu.memref_slice %arg9[%dma_start3A_7, %dma_start3A_8] : memref<512x64xf32, #tpu.memory_space<vmem>> -> memref<128x64xf32, #tpu.memory_space<vmem>>
    %dma_start3A_10 = arith.constant 0 : i32
    %dma_start3A_11 = tpu.memref_slice %arg7[%dma_start3A, %dma_start3A_10] : memref<4x128xi32, #tpu.memory_space<vmem>> -> memref<1x128xi32, #tpu.memory_space<vmem>>
    %dma_start3A_12 = tpu.memref_squeeze %dma_start3A_11 : memref<1x128xi32, #tpu.memory_space<vmem>> -> memref<128xi32, #tpu.memory_space<vmem>>
    %dma_start3A_13 = arith.constant 0 : i32
    %dma_start3A_14 = arith.constant 0 : i32
    %dma_start3A_15 = tpu.memref_slice %arg2[%dma_start3A_13, %dma_start3A_14] : memref<100000x64xf32, #tpu.memory_space<hbm>> -> memref<100000x64xf32, #tpu.memory_space<hbm>>
    tpu.enqueue_indirect_dma source(%dma_start3A_15 : memref<100000x64xf32, #tpu.memory_space<hbm>>) target(%dma_start3A_9 : memref<128x64xf32, #tpu.memory_space<vmem>>) offsets(%dma_start3A_12 : memref<128xi32, #tpu.memory_space<vmem>>) semaphore(%arg11 : memref<!tpu.dma_semaphore, #tpu.memory_space<semaphore_mem>>)
    %dma_start3A_16 = arith.constant 0 : i32
    %dma_start3A_17 = arith.constant 0 : i32
    %dma_start3A_18 = arith.constant 0 : i32
    %dma_start3A_19 = tpu.memref_slice %arg10[%dma_start3A_17, %dma_start3A_18] : memref<512x64xf32, #tpu.memory_space<vmem>> -> memref<128x64xf32, #tpu.memory_space<vmem>>
    %dma_start3A_20 = arith.constant 0 : i32
    %dma_start3A_21 = tpu.memref_slice %arg8[%dma_start3A_16, %dma_start3A_20] : memref<4x128xi32, #tpu.memory_space<vmem>> -> memref<1x128xi32, #tpu.memory_space<vmem>>
    %dma_start3A_22 = tpu.memref_squeeze %dma_start3A_21 : memref<1x128xi32, #tpu.memory_space<vmem>> -> memref<128xi32, #tpu.memory_space<vmem>>
    %dma_start3A_23 = arith.constant 0 : i32
    %dma_start3A_24 = arith.constant 0 : i32
    %dma_start3A_25 = tpu.memref_slice %arg3[%dma_start3A_23, %dma_start3A_24] : memref<100000x64xf32, #tpu.memory_space<hbm>> -> memref<100000x64xf32, #tpu.memory_space<hbm>>
    tpu.enqueue_indirect_dma source(%dma_start3A_25 : memref<100000x64xf32, #tpu.memory_space<hbm>>) target(%dma_start3A_19 : memref<128x64xf32, #tpu.memory_space<vmem>>) offsets(%dma_start3A_22 : memref<128xi32, #tpu.memory_space<vmem>>) semaphore(%arg12 : memref<!tpu.dma_semaphore, #tpu.memory_space<semaphore_mem>>)
    %dma_start3A_26 = arith.constant 1 : i32
    %dma_start3A_27 = arith.constant 128 : i32
    %dma_start3A_28 = arith.constant 0 : i32
    %dma_start3A_29 = tpu.memref_slice %arg9[%dma_start3A_27, %dma_start3A_28] : memref<512x64xf32, #tpu.memory_space<vmem>> -> memref<128x64xf32, #tpu.memory_space<vmem>>
    %dma_start3A_30 = arith.constant 0 : i32
    %dma_start3A_31 = tpu.memref_slice %arg7[%dma_start3A_26, %dma_start3A_30] : memref<4x128xi32, #tpu.memory_space<vmem>> -> memref<1x128xi32, #tpu.memory_space<vmem>>
    %dma_start3A_32 = tpu.memref_squeeze %dma_start3A_31 : memref<1x128xi32, #tpu.memory_space<vmem>> -> memref<128xi32, #tpu.memory_space<vmem>>
    %dma_start3A_33 = arith.constant 0 : i32
    %dma_start3A_34 = arith.constant 0 : i32
    %dma_start3A_35 = tpu.memref_slice %arg2[%dma_start3A_33, %dma_start3A_34] : memref<100000x64xf32, #tpu.memory_space<hbm>> -> memref<100000x64xf32, #tpu.memory_space<hbm>>
    tpu.enqueue_indirect_dma source(%dma_start3A_35 : memref<100000x64xf32, #tpu.memory_space<hbm>>) target(%dma_start3A_29 : memref<128x64xf32, #tpu.memory_space<vmem>>) offsets(%dma_start3A_32 : memref<128xi32, #tpu.memory_space<vmem>>) semaphore(%arg11 : memref<!tpu.dma_semaphore, #tpu.memory_space<semaphore_mem>>)
    %dma_start3A_36 = arith.constant 1 : i32
    %dma_start3A_37 = arith.constant 128 : i32
    %dma_start3A_38 = arith.constant 0 : i32
    %dma_start3A_39 = tpu.memref_slice %arg10[%dma_start3A_37, %dma_start3A_38] : memref<512x64xf32, #tpu.memory_space<vmem>> -> memref<128x64xf32, #tpu.memory_space<vmem>>
    %dma_start3A_40 = arith.constant 0 : i32
    %dma_start3A_41 = tpu.memref_slice %arg8[%dma_start3A_36, %dma_start3A_40] : memref<4x128xi32, #tpu.memory_space<vmem>> -> memref<1x128xi32, #tpu.memory_space<vmem>>
    %dma_start3A_42 = tpu.memref_squeeze %dma_start3A_41 : memref<1x128xi32, #tpu.memory_space<vmem>> -> memref<128xi32, #tpu.memory_space<vmem>>
    %dma_start3A_43 = arith.constant 0 : i32
    %dma_start3A_44 = arith.constant 0 : i32
    %dma_start3A_45 = tpu.memref_slice %arg3[%dma_start3A_43, %dma_start3A_44] : memref<100000x64xf32, #tpu.memory_space<hbm>> -> memref<100000x64xf32, #tpu.memory_space<hbm>>
    tpu.enqueue_indirect_dma source(%dma_start3A_45 : memref<100000x64xf32, #tpu.memory_space<hbm>>) target(%dma_start3A_39 : memref<128x64xf32, #tpu.memory_space<vmem>>) offsets(%dma_start3A_42 : memref<128xi32, #tpu.memory_space<vmem>>) semaphore(%arg12 : memref<!tpu.dma_semaphore, #tpu.memory_space<semaphore_mem>>)
    %dma_start3A_46 = arith.constant 2 : i32
    %dma_start3A_47 = arith.constant 256 : i32
    %dma_start3A_48 = arith.constant 0 : i32
    %dma_start3A_49 = tpu.memref_slice %arg9[%dma_start3A_47, %dma_start3A_48] : memref<512x64xf32, #tpu.memory_space<vmem>> -> memref<128x64xf32, #tpu.memory_space<vmem>>
    %dma_start3A_50 = arith.constant 0 : i32
    %dma_start3A_51 = tpu.memref_slice %arg7[%dma_start3A_46, %dma_start3A_50] : memref<4x128xi32, #tpu.memory_space<vmem>> -> memref<1x128xi32, #tpu.memory_space<vmem>>
    %dma_start3A_52 = tpu.memref_squeeze %dma_start3A_51 : memref<1x128xi32, #tpu.memory_space<vmem>> -> memref<128xi32, #tpu.memory_space<vmem>>
    %dma_start3A_53 = arith.constant 0 : i32
    %dma_start3A_54 = arith.constant 0 : i32
    %dma_start3A_55 = tpu.memref_slice %arg2[%dma_start3A_53, %dma_start3A_54] : memref<100000x64xf32, #tpu.memory_space<hbm>> -> memref<100000x64xf32, #tpu.memory_space<hbm>>
    tpu.enqueue_indirect_dma source(%dma_start3A_55 : memref<100000x64xf32, #tpu.memory_space<hbm>>) target(%dma_start3A_49 : memref<128x64xf32, #tpu.memory_space<vmem>>) offsets(%dma_start3A_52 : memref<128xi32, #tpu.memory_space<vmem>>) semaphore(%arg11 : memref<!tpu.dma_semaphore, #tpu.memory_space<semaphore_mem>>)
    %dma_start3A_56 = arith.constant 2 : i32
    %dma_start3A_57 = arith.constant 256 : i32
    %dma_start3A_58 = arith.constant 0 : i32
    %dma_start3A_59 = tpu.memref_slice %arg10[%dma_start3A_57, %dma_start3A_58] : memref<512x64xf32, #tpu.memory_space<vmem>> -> memref<128x64xf32, #tpu.memory_space<vmem>>
    %dma_start3A_60 = arith.constant 0 : i32
    %dma_start3A_61 = tpu.memref_slice %arg8[%dma_start3A_56, %dma_start3A_60] : memref<4x128xi32, #tpu.memory_space<vmem>> -> memref<1x128xi32, #tpu.memory_space<vmem>>
    %dma_start3A_62 = tpu.memref_squeeze %dma_start3A_61 : memref<1x128xi32, #tpu.memory_space<vmem>> -> memref<128xi32, #tpu.memory_space<vmem>>
    %dma_start3A_63 = arith.constant 0 : i32
    %dma_start3A_64 = arith.constant 0 : i32
    %dma_start3A_65 = tpu.memref_slice %arg3[%dma_start3A_63, %dma_start3A_64] : memref<100000x64xf32, #tpu.memory_space<hbm>> -> memref<100000x64xf32, #tpu.memory_space<hbm>>
    tpu.enqueue_indirect_dma source(%dma_start3A_65 : memref<100000x64xf32, #tpu.memory_space<hbm>>) target(%dma_start3A_59 : memref<128x64xf32, #tpu.memory_space<vmem>>) offsets(%dma_start3A_62 : memref<128xi32, #tpu.memory_space<vmem>>) semaphore(%arg12 : memref<!tpu.dma_semaphore, #tpu.memory_space<semaphore_mem>>)
    %dma_start3A_66 = arith.constant 3 : i32
    %dma_start3A_67 = arith.constant 384 : i32
    %dma_start3A_68 = arith.constant 0 : i32
    %dma_start3A_69 = tpu.memref_slice %arg9[%dma_start3A_67, %dma_start3A_68] : memref<512x64xf32, #tpu.memory_space<vmem>> -> memref<128x64xf32, #tpu.memory_space<vmem>>
    %dma_start3A_70 = arith.constant 0 : i32
    %dma_start3A_71 = tpu.memref_slice %arg7[%dma_start3A_66, %dma_start3A_70] : memref<4x128xi32, #tpu.memory_space<vmem>> -> memref<1x128xi32, #tpu.memory_space<vmem>>
    %dma_start3A_72 = tpu.memref_squeeze %dma_start3A_71 : memref<1x128xi32, #tpu.memory_space<vmem>> -> memref<128xi32, #tpu.memory_space<vmem>>
    %dma_start3A_73 = arith.constant 0 : i32
    %dma_start3A_74 = arith.constant 0 : i32
    %dma_start3A_75 = tpu.memref_slice %arg2[%dma_start3A_73, %dma_start3A_74] : memref<100000x64xf32, #tpu.memory_space<hbm>> -> memref<100000x64xf32, #tpu.memory_space<hbm>>
    tpu.enqueue_indirect_dma source(%dma_start3A_75 : memref<100000x64xf32, #tpu.memory_space<hbm>>) target(%dma_start3A_69 : memref<128x64xf32, #tpu.memory_space<vmem>>) offsets(%dma_start3A_72 : memref<128xi32, #tpu.memory_space<vmem>>) semaphore(%arg11 : memref<!tpu.dma_semaphore, #tpu.memory_space<semaphore_mem>>)
    %dma_start3A_76 = arith.constant 3 : i32
    %dma_start3A_77 = arith.constant 384 : i32
    %dma_start3A_78 = arith.constant 0 : i32
    %dma_start3A_79 = tpu.memref_slice %arg10[%dma_start3A_77, %dma_start3A_78] : memref<512x64xf32, #tpu.memory_space<vmem>> -> memref<128x64xf32, #tpu.memory_space<vmem>>
    %dma_start3A_80 = arith.constant 0 : i32
    %dma_start3A_81 = tpu.memref_slice %arg8[%dma_start3A_76, %dma_start3A_80] : memref<4x128xi32, #tpu.memory_space<vmem>> -> memref<1x128xi32, #tpu.memory_space<vmem>>
    %dma_start3A_82 = tpu.memref_squeeze %dma_start3A_81 : memref<1x128xi32, #tpu.memory_space<vmem>> -> memref<128xi32, #tpu.memory_space<vmem>>
    %dma_start3A_83 = arith.constant 0 : i32
    %dma_start3A_84 = arith.constant 0 : i32
    %dma_start3A_85 = tpu.memref_slice %arg3[%dma_start3A_83, %dma_start3A_84] : memref<100000x64xf32, #tpu.memory_space<hbm>> -> memref<100000x64xf32, #tpu.memory_space<hbm>>
    tpu.enqueue_indirect_dma source(%dma_start3A_85 : memref<100000x64xf32, #tpu.memory_space<hbm>>) target(%dma_start3A_79 : memref<128x64xf32, #tpu.memory_space<vmem>>) offsets(%dma_start3A_82 : memref<128xi32, #tpu.memory_space<vmem>>) semaphore(%arg12 : memref<!tpu.dma_semaphore, #tpu.memory_space<semaphore_mem>>)
    %dma_wait3A = arith.constant 0 : i32
    %dma_wait3A_86 = arith.constant 0 : i32
    %dma_wait3A_87 = arith.constant 0 : i32
    %dma_wait3A_88 = tpu.memref_slice %arg9[%dma_wait3A_86, %dma_wait3A_87] : memref<512x64xf32, #tpu.memory_space<vmem>> -> memref<128x64xf32, #tpu.memory_space<vmem>>
    %dma_wait3A_89 = arith.constant 0 : i32
    %dma_wait3A_90 = tpu.memref_slice %arg7[%dma_wait3A, %dma_wait3A_89] : memref<4x128xi32, #tpu.memory_space<vmem>> -> memref<1x128xi32, #tpu.memory_space<vmem>>
    %dma_wait3A_91 = tpu.memref_squeeze %dma_wait3A_90 : memref<1x128xi32, #tpu.memory_space<vmem>> -> memref<128xi32, #tpu.memory_space<vmem>>
    %dma_wait3A_92 = arith.constant 0 : i32
    %dma_wait3A_93 = arith.constant 0 : i32
    %dma_wait3A_94 = tpu.memref_slice %arg2[%dma_wait3A_92, %dma_wait3A_93] : memref<100000x64xf32, #tpu.memory_space<hbm>> -> memref<100000x64xf32, #tpu.memory_space<hbm>>
    tpu.wait_indirect_dma semaphore(%arg11 : memref<!tpu.dma_semaphore, #tpu.memory_space<semaphore_mem>>) src(%dma_wait3A_94 : memref<100000x64xf32, #tpu.memory_space<hbm>>) dst(%dma_wait3A_88 : memref<128x64xf32, #tpu.memory_space<vmem>>)
    %dma_wait3A_95 = arith.constant 0 : i32
    %dma_wait3A_96 = arith.constant 0 : i32
    %dma_wait3A_97 = arith.constant 0 : i32
    %dma_wait3A_98 = tpu.memref_slice %arg10[%dma_wait3A_96, %dma_wait3A_97] : memref<512x64xf32, #tpu.memory_space<vmem>> -> memref<128x64xf32, #tpu.memory_space<vmem>>
    %dma_wait3A_99 = arith.constant 0 : i32
    %dma_wait3A_100 = tpu.memref_slice %arg8[%dma_wait3A_95, %dma_wait3A_99] : memref<4x128xi32, #tpu.memory_space<vmem>> -> memref<1x128xi32, #tpu.memory_space<vmem>>
    %dma_wait3A_101 = tpu.memref_squeeze %dma_wait3A_100 : memref<1x128xi32, #tpu.memory_space<vmem>> -> memref<128xi32, #tpu.memory_space<vmem>>
    %dma_wait3A_102 = arith.constant 0 : i32
    %dma_wait3A_103 = arith.constant 0 : i32
    %dma_wait3A_104 = tpu.memref_slice %arg3[%dma_wait3A_102, %dma_wait3A_103] : memref<100000x64xf32, #tpu.memory_space<hbm>> -> memref<100000x64xf32, #tpu.memory_space<hbm>>
    tpu.wait_indirect_dma semaphore(%arg12 : memref<!tpu.dma_semaphore, #tpu.memory_space<semaphore_mem>>) src(%dma_wait3A_104 : memref<100000x64xf32, #tpu.memory_space<hbm>>) dst(%dma_wait3A_98 : memref<128x64xf32, #tpu.memory_space<vmem>>)
    %dma_wait3A_105 = arith.constant 1 : i32
    %dma_wait3A_106 = arith.constant 128 : i32
    %dma_wait3A_107 = arith.constant 0 : i32
    %dma_wait3A_108 = tpu.memref_slice %arg9[%dma_wait3A_106, %dma_wait3A_107] : memref<512x64xf32, #tpu.memory_space<vmem>> -> memref<128x64xf32, #tpu.memory_space<vmem>>
    %dma_wait3A_109 = arith.constant 0 : i32
    %dma_wait3A_110 = tpu.memref_slice %arg7[%dma_wait3A_105, %dma_wait3A_109] : memref<4x128xi32, #tpu.memory_space<vmem>> -> memref<1x128xi32, #tpu.memory_space<vmem>>
    %dma_wait3A_111 = tpu.memref_squeeze %dma_wait3A_110 : memref<1x128xi32, #tpu.memory_space<vmem>> -> memref<128xi32, #tpu.memory_space<vmem>>
    %dma_wait3A_112 = arith.constant 0 : i32
    %dma_wait3A_113 = arith.constant 0 : i32
    %dma_wait3A_114 = tpu.memref_slice %arg2[%dma_wait3A_112, %dma_wait3A_113] : memref<100000x64xf32, #tpu.memory_space<hbm>> -> memref<100000x64xf32, #tpu.memory_space<hbm>>
    tpu.wait_indirect_dma semaphore(%arg11 : memref<!tpu.dma_semaphore, #tpu.memory_space<semaphore_mem>>) src(%dma_wait3A_114 : memref<100000x64xf32, #tpu.memory_space<hbm>>) dst(%dma_wait3A_108 : memref<128x64xf32, #tpu.memory_space<vmem>>)
    %dma_wait3A_115 = arith.constant 1 : i32
    %dma_wait3A_116 = arith.constant 128 : i32
    %dma_wait3A_117 = arith.constant 0 : i32
    %dma_wait3A_118 = tpu.memref_slice %arg10[%dma_wait3A_116, %dma_wait3A_117] : memref<512x64xf32, #tpu.memory_space<vmem>> -> memref<128x64xf32, #tpu.memory_space<vmem>>
    %dma_wait3A_119 = arith.constant 0 : i32
    %dma_wait3A_120 = tpu.memref_slice %arg8[%dma_wait3A_115, %dma_wait3A_119] : memref<4x128xi32, #tpu.memory_space<vmem>> -> memref<1x128xi32, #tpu.memory_space<vmem>>
    %dma_wait3A_121 = tpu.memref_squeeze %dma_wait3A_120 : memref<1x128xi32, #tpu.memory_space<vmem>> -> memref<128xi32, #tpu.memory_space<vmem>>
    %dma_wait3A_122 = arith.constant 0 : i32
    %dma_wait3A_123 = arith.constant 0 : i32
    %dma_wait3A_124 = tpu.memref_slice %arg3[%dma_wait3A_122, %dma_wait3A_123] : memref<100000x64xf32, #tpu.memory_space<hbm>> -> memref<100000x64xf32, #tpu.memory_space<hbm>>
    tpu.wait_indirect_dma semaphore(%arg12 : memref<!tpu.dma_semaphore, #tpu.memory_space<semaphore_mem>>) src(%dma_wait3A_124 : memref<100000x64xf32, #tpu.memory_space<hbm>>) dst(%dma_wait3A_118 : memref<128x64xf32, #tpu.memory_space<vmem>>)
    %dma_wait3A_125 = arith.constant 2 : i32
    %dma_wait3A_126 = arith.constant 256 : i32
    %dma_wait3A_127 = arith.constant 0 : i32
    %dma_wait3A_128 = tpu.memref_slice %arg9[%dma_wait3A_126, %dma_wait3A_127] : memref<512x64xf32, #tpu.memory_space<vmem>> -> memref<128x64xf32, #tpu.memory_space<vmem>>
    %dma_wait3A_129 = arith.constant 0 : i32
    %dma_wait3A_130 = tpu.memref_slice %arg7[%dma_wait3A_125, %dma_wait3A_129] : memref<4x128xi32, #tpu.memory_space<vmem>> -> memref<1x128xi32, #tpu.memory_space<vmem>>
    %dma_wait3A_131 = tpu.memref_squeeze %dma_wait3A_130 : memref<1x128xi32, #tpu.memory_space<vmem>> -> memref<128xi32, #tpu.memory_space<vmem>>
    %dma_wait3A_132 = arith.constant 0 : i32
    %dma_wait3A_133 = arith.constant 0 : i32
    %dma_wait3A_134 = tpu.memref_slice %arg2[%dma_wait3A_132, %dma_wait3A_133] : memref<100000x64xf32, #tpu.memory_space<hbm>> -> memref<100000x64xf32, #tpu.memory_space<hbm>>
    tpu.wait_indirect_dma semaphore(%arg11 : memref<!tpu.dma_semaphore, #tpu.memory_space<semaphore_mem>>) src(%dma_wait3A_134 : memref<100000x64xf32, #tpu.memory_space<hbm>>) dst(%dma_wait3A_128 : memref<128x64xf32, #tpu.memory_space<vmem>>)
    %dma_wait3A_135 = arith.constant 2 : i32
    %dma_wait3A_136 = arith.constant 256 : i32
    %dma_wait3A_137 = arith.constant 0 : i32
    %dma_wait3A_138 = tpu.memref_slice %arg10[%dma_wait3A_136, %dma_wait3A_137] : memref<512x64xf32, #tpu.memory_space<vmem>> -> memref<128x64xf32, #tpu.memory_space<vmem>>
    %dma_wait3A_139 = arith.constant 0 : i32
    %dma_wait3A_140 = tpu.memref_slice %arg8[%dma_wait3A_135, %dma_wait3A_139] : memref<4x128xi32, #tpu.memory_space<vmem>> -> memref<1x128xi32, #tpu.memory_space<vmem>>
    %dma_wait3A_141 = tpu.memref_squeeze %dma_wait3A_140 : memref<1x128xi32, #tpu.memory_space<vmem>> -> memref<128xi32, #tpu.memory_space<vmem>>
    %dma_wait3A_142 = arith.constant 0 : i32
    %dma_wait3A_143 = arith.constant 0 : i32
    %dma_wait3A_144 = tpu.memref_slice %arg3[%dma_wait3A_142, %dma_wait3A_143] : memref<100000x64xf32, #tpu.memory_space<hbm>> -> memref<100000x64xf32, #tpu.memory_space<hbm>>
    tpu.wait_indirect_dma semaphore(%arg12 : memref<!tpu.dma_semaphore, #tpu.memory_space<semaphore_mem>>) src(%dma_wait3A_144 : memref<100000x64xf32, #tpu.memory_space<hbm>>) dst(%dma_wait3A_138 : memref<128x64xf32, #tpu.memory_space<vmem>>)
    %dma_wait3A_145 = arith.constant 3 : i32
    %dma_wait3A_146 = arith.constant 384 : i32
    %dma_wait3A_147 = arith.constant 0 : i32
    %dma_wait3A_148 = tpu.memref_slice %arg9[%dma_wait3A_146, %dma_wait3A_147] : memref<512x64xf32, #tpu.memory_space<vmem>> -> memref<128x64xf32, #tpu.memory_space<vmem>>
    %dma_wait3A_149 = arith.constant 0 : i32
    %dma_wait3A_150 = tpu.memref_slice %arg7[%dma_wait3A_145, %dma_wait3A_149] : memref<4x128xi32, #tpu.memory_space<vmem>> -> memref<1x128xi32, #tpu.memory_space<vmem>>
    %dma_wait3A_151 = tpu.memref_squeeze %dma_wait3A_150 : memref<1x128xi32, #tpu.memory_space<vmem>> -> memref<128xi32, #tpu.memory_space<vmem>>
    %dma_wait3A_152 = arith.constant 0 : i32
    %dma_wait3A_153 = arith.constant 0 : i32
    %dma_wait3A_154 = tpu.memref_slice %arg2[%dma_wait3A_152, %dma_wait3A_153] : memref<100000x64xf32, #tpu.memory_space<hbm>> -> memref<100000x64xf32, #tpu.memory_space<hbm>>
    tpu.wait_indirect_dma semaphore(%arg11 : memref<!tpu.dma_semaphore, #tpu.memory_space<semaphore_mem>>) src(%dma_wait3A_154 : memref<100000x64xf32, #tpu.memory_space<hbm>>) dst(%dma_wait3A_148 : memref<128x64xf32, #tpu.memory_space<vmem>>)
    %dma_wait3A_155 = arith.constant 3 : i32
    %dma_wait3A_156 = arith.constant 384 : i32
    %dma_wait3A_157 = arith.constant 0 : i32
    %dma_wait3A_158 = tpu.memref_slice %arg10[%dma_wait3A_156, %dma_wait3A_157] : memref<512x64xf32, #tpu.memory_space<vmem>> -> memref<128x64xf32, #tpu.memory_space<vmem>>
    %dma_wait3A_159 = arith.constant 0 : i32
    %dma_wait3A_160 = tpu.memref_slice %arg8[%dma_wait3A_155, %dma_wait3A_159] : memref<4x128xi32, #tpu.memory_space<vmem>> -> memref<1x128xi32, #tpu.memory_space<vmem>>
    %dma_wait3A_161 = tpu.memref_squeeze %dma_wait3A_160 : memref<1x128xi32, #tpu.memory_space<vmem>> -> memref<128xi32, #tpu.memory_space<vmem>>
    %dma_wait3A_162 = arith.constant 0 : i32
    %dma_wait3A_163 = arith.constant 0 : i32
    %dma_wait3A_164 = tpu.memref_slice %arg3[%dma_wait3A_162, %dma_wait3A_163] : memref<100000x64xf32, #tpu.memory_space<hbm>> -> memref<100000x64xf32, #tpu.memory_space<hbm>>
    tpu.wait_indirect_dma semaphore(%arg12 : memref<!tpu.dma_semaphore, #tpu.memory_space<semaphore_mem>>) src(%dma_wait3A_164 : memref<100000x64xf32, #tpu.memory_space<hbm>>) dst(%dma_wait3A_158 : memref<128x64xf32, #tpu.memory_space<vmem>>)
    "tpu.region"() ({
      %run_scoped3A = tpu.sem_alloc : memref<!tpu.dma_semaphore, #tpu.memory_space<semaphore_mem>>
      %dma_start3A_165 = arith.constant 0 : i32
      %dma_start3A_166 = tpu.memref_slice %arg6[%mul3A_2, %dma_start3A_165] : memref<16384x128xf32, #tpu.memory_space<hbm>> -> memref<512x64xf32, #tpu.memory_space<hbm>>
      %dma_start3A_167 = arith.constant 0 : i32
      %dma_start3A_168 = tpu.memref_slice %arg6[%mul3A_2, %dma_start3A_167] : memref<16384x128xf32, #tpu.memory_space<hbm>> -> memref<512x64xf32, #tpu.memory_space<hbm>>
      tpu.enqueue_dma source(%arg9 : memref<512x64xf32, #tpu.memory_space<vmem>>) target(%dma_start3A_168 : memref<512x64xf32, #tpu.memory_space<hbm>>) target_semaphore(%run_scoped3A : memref<!tpu.dma_semaphore, #tpu.memory_space<semaphore_mem>>)
      %dma_wait3A_169 = arith.constant 0 : i32
      %dma_wait3A_170 = tpu.memref_slice %arg6[%mul3A_2, %dma_wait3A_169] : memref<16384x128xf32, #tpu.memory_space<hbm>> -> memref<512x64xf32, #tpu.memory_space<hbm>>
      %dma_wait3A_171 = arith.constant 0 : i32
      %dma_wait3A_172 = tpu.memref_slice %arg6[%mul3A_2, %dma_wait3A_171] : memref<16384x128xf32, #tpu.memory_space<hbm>> -> memref<512x64xf32, #tpu.memory_space<hbm>>
      tpu.wait_dma2 semaphore(%run_scoped3A : memref<!tpu.dma_semaphore, #tpu.memory_space<semaphore_mem>>) src(%arg9 : memref<512x64xf32, #tpu.memory_space<vmem>>) dst(%dma_wait3A_172 : memref<512x64xf32, #tpu.memory_space<hbm>>)
      tpu.yield
    }) : () -> ()
    "tpu.region"() ({
      %run_scoped3A = tpu.sem_alloc : memref<!tpu.dma_semaphore, #tpu.memory_space<semaphore_mem>>
      %dma_start3A_165 = arith.constant 64 : i32
      %dma_start3A_166 = tpu.memref_slice %arg6[%mul3A_2, %dma_start3A_165] : memref<16384x128xf32, #tpu.memory_space<hbm>> -> memref<512x64xf32, #tpu.memory_space<hbm>>
      %dma_start3A_167 = arith.constant 64 : i32
      %dma_start3A_168 = tpu.memref_slice %arg6[%mul3A_2, %dma_start3A_167] : memref<16384x128xf32, #tpu.memory_space<hbm>> -> memref<512x64xf32, #tpu.memory_space<hbm>>
      tpu.enqueue_dma source(%arg10 : memref<512x64xf32, #tpu.memory_space<vmem>>) target(%dma_start3A_168 : memref<512x64xf32, #tpu.memory_space<hbm>>) target_semaphore(%run_scoped3A : memref<!tpu.dma_semaphore, #tpu.memory_space<semaphore_mem>>)
      %dma_wait3A_169 = arith.constant 64 : i32
      %dma_wait3A_170 = tpu.memref_slice %arg6[%mul3A_2, %dma_wait3A_169] : memref<16384x128xf32, #tpu.memory_space<hbm>> -> memref<512x64xf32, #tpu.memory_space<hbm>>
      %dma_wait3A_171 = arith.constant 64 : i32
      %dma_wait3A_172 = tpu.memref_slice %arg6[%mul3A_2, %dma_wait3A_171] : memref<16384x128xf32, #tpu.memory_space<hbm>> -> memref<512x64xf32, #tpu.memory_space<hbm>>
      tpu.wait_dma2 semaphore(%run_scoped3A : memref<!tpu.dma_semaphore, #tpu.memory_space<semaphore_mem>>) src(%arg10 : memref<512x64xf32, #tpu.memory_space<vmem>>) dst(%dma_wait3A_172 : memref<512x64xf32, #tpu.memory_space<hbm>>)
      tpu.yield
    }) : () -> ()
    return
  }
}

module attributes {stable_mosaic.version = 14 : i64} {
  func.func @_dense_body(%arg0: i32, %arg1: memref<8192x128xf32, #tpu.memory_space<vmem>>, %arg2: memref<64x64xf32, #tpu.memory_space<vmem>>, %arg3: memref<64x64xf32, #tpu.memory_space<vmem>>, %arg4: memref<64x64xf32, #tpu.memory_space<vmem>>, %arg5: memref<64x64xf32, #tpu.memory_space<vmem>>, %arg6: memref<128x64xf32, #tpu.memory_space<vmem>>, %arg7: memref<64x16xf32, #tpu.memory_space<vmem>>, %arg8: memref<16x1xf32, #tpu.memory_space<vmem>>, %arg9: memref<128x64xf32, #tpu.memory_space<vmem>>, %arg10: memref<64x16xf32, #tpu.memory_space<vmem>>, %arg11: memref<32x2xf32, #tpu.memory_space<vmem>>, %arg12: memref<1x64xf32, #tpu.memory_space<vmem>>, %arg13: memref<1x64xf32, #tpu.memory_space<vmem>>, %arg14: memref<1x64xf32, #tpu.memory_space<vmem>>, %arg15: memref<1x64xf32, #tpu.memory_space<vmem>>, %arg16: memref<1x64xf32, #tpu.memory_space<vmem>>, %arg17: memref<1x16xf32, #tpu.memory_space<vmem>>, %arg18: memref<1x1xf32, #tpu.memory_space<vmem>>, %arg19: memref<1x64xf32, #tpu.memory_space<vmem>>, %arg20: memref<1x16xf32, #tpu.memory_space<vmem>>, %arg21: memref<1x64xf32, #tpu.memory_space<vmem>>, %arg22: memref<1x64xf32, #tpu.memory_space<vmem>>, %arg23: memref<1x64xf32, #tpu.memory_space<vmem>>, %arg24: memref<1x64xf32, #tpu.memory_space<vmem>>, %arg25: memref<1x64xf32, #tpu.memory_space<vmem>>, %arg26: memref<1x64xf32, #tpu.memory_space<vmem>>, %arg27: memref<1x16xf32, #tpu.memory_space<vmem>>, %arg28: memref<1x16xf32, #tpu.memory_space<vmem>>, %arg29: memref<1x64xf32, #tpu.memory_space<vmem>>, %arg30: memref<1x64xf32, #tpu.memory_space<vmem>>, %arg31: memref<1x16xf32, #tpu.memory_space<vmem>>, %arg32: memref<1x16xf32, #tpu.memory_space<vmem>>, %arg33: memref<16384x1xf32, #tpu.memory_space<vmem>>, %arg34: memref<16384x192xf32, #tpu.memory_space<vmem>>, %arg35: memref<16384x96xf32, #tpu.memory_space<vmem>>, %arg36: memref<128x192xbf16, #tpu.memory_space<vmem>>, %arg37: memref<5x192xf32, #tpu.memory_space<vmem>>, %arg38: memref<4x80xf32, #tpu.memory_space<vmem>>, %arg39: memref<4x16xf32, #tpu.memory_space<vmem>>) attributes {dimension_semantics = [#tpu.dimension_semantics<arbitrary>], iteration_bounds = array<i64: 6>, scalar_prefetch = 0 : i64, scratch_operands = 6 : i64, tpu.core_type = #tpu.core_type<tc>, window_params = [{transform_indices = @transform_0, window_bounds = array<i64: 8192, 128>}, {pipeline_mode = #tpu.pipeline_mode<synchronous>, transform_indices = @transform_1, window_bounds = array<i64: 64, 64>}, {pipeline_mode = #tpu.pipeline_mode<synchronous>, transform_indices = @transform_2, window_bounds = array<i64: 64, 64>}, {pipeline_mode = #tpu.pipeline_mode<synchronous>, transform_indices = @transform_3, window_bounds = array<i64: 64, 64>}, {pipeline_mode = #tpu.pipeline_mode<synchronous>, transform_indices = @transform_4, window_bounds = array<i64: 64, 64>}, {pipeline_mode = #tpu.pipeline_mode<synchronous>, transform_indices = @transform_5, window_bounds = array<i64: 128, 64>}, {pipeline_mode = #tpu.pipeline_mode<synchronous>, transform_indices = @transform_6, window_bounds = array<i64: 64, 16>}, {pipeline_mode = #tpu.pipeline_mode<synchronous>, transform_indices = @transform_7, window_bounds = array<i64: 16, 1>}, {pipeline_mode = #tpu.pipeline_mode<synchronous>, transform_indices = @transform_8, window_bounds = array<i64: 128, 64>}, {pipeline_mode = #tpu.pipeline_mode<synchronous>, transform_indices = @transform_9, window_bounds = array<i64: 64, 16>}, {pipeline_mode = #tpu.pipeline_mode<synchronous>, transform_indices = @transform_10, window_bounds = array<i64: 32, 2>}, {pipeline_mode = #tpu.pipeline_mode<synchronous>, transform_indices = @transform_11, window_bounds = array<i64: 1, 64>}, {pipeline_mode = #tpu.pipeline_mode<synchronous>, transform_indices = @transform_12, window_bounds = array<i64: 1, 64>}, {pipeline_mode = #tpu.pipeline_mode<synchronous>, transform_indices = @transform_13, window_bounds = array<i64: 1, 64>}, {pipeline_mode = #tpu.pipeline_mode<synchronous>, transform_indices = @transform_14, window_bounds = array<i64: 1, 64>}, {pipeline_mode = #tpu.pipeline_mode<synchronous>, transform_indices = @transform_15, window_bounds = array<i64: 1, 64>}, {pipeline_mode = #tpu.pipeline_mode<synchronous>, transform_indices = @transform_16, window_bounds = array<i64: 1, 16>}, {pipeline_mode = #tpu.pipeline_mode<synchronous>, transform_indices = @transform_17, window_bounds = array<i64: 1, 1>}, {pipeline_mode = #tpu.pipeline_mode<synchronous>, transform_indices = @transform_18, window_bounds = array<i64: 1, 64>}, {pipeline_mode = #tpu.pipeline_mode<synchronous>, transform_indices = @transform_19, window_bounds = array<i64: 1, 16>}, {pipeline_mode = #tpu.pipeline_mode<synchronous>, transform_indices = @transform_20, window_bounds = array<i64: 1, 64>}, {pipeline_mode = #tpu.pipeline_mode<synchronous>, transform_indices = @transform_21, window_bounds = array<i64: 1, 64>}, {pipeline_mode = #tpu.pipeline_mode<synchronous>, transform_indices = @transform_22, window_bounds = array<i64: 1, 64>}, {pipeline_mode = #tpu.pipeline_mode<synchronous>, transform_indices = @transform_23, window_bounds = array<i64: 1, 64>}, {pipeline_mode = #tpu.pipeline_mode<synchronous>, transform_indices = @transform_24, window_bounds = array<i64: 1, 64>}, {pipeline_mode = #tpu.pipeline_mode<synchronous>, transform_indices = @transform_25, window_bounds = array<i64: 1, 64>}, {pipeline_mode = #tpu.pipeline_mode<synchronous>, transform_indices = @transform_26, window_bounds = array<i64: 1, 16>}, {pipeline_mode = #tpu.pipeline_mode<synchronous>, transform_indices = @transform_27, window_bounds = array<i64: 1, 16>}, {pipeline_mode = #tpu.pipeline_mode<synchronous>, transform_indices = @transform_28, window_bounds = array<i64: 1, 64>}, {pipeline_mode = #tpu.pipeline_mode<synchronous>, transform_indices = @transform_29, window_bounds = array<i64: 1, 64>}, {pipeline_mode = #tpu.pipeline_mode<synchronous>, transform_indices = @transform_30, window_bounds = array<i64: 1, 16>}, {pipeline_mode = #tpu.pipeline_mode<synchronous>, transform_indices = @transform_31, window_bounds = array<i64: 1, 16>}, {pipeline_mode = #tpu.pipeline_mode<synchronous>, transform_indices = @transform_32, window_bounds = array<i64: 16384, 1>}]} {
    %eq3A = arith.constant 0 : i32
    %eq3A_0 = arith.cmpi eq, %arg0, %eq3A : i32
    %convert_element_type3A = arith.extui %eq3A_0 : i1 to i32
    %cond3A = arith.constant 0 : i32
    %cond3A_1 = arith.cmpi ne, %convert_element_type3A, %cond3A : i32
    scf.if %cond3A_1 {
      %broadcast_in_dim3A = arith.constant 0.000000e+00 : f32
      %broadcast_in_dim3A_27 = vector.broadcast %broadcast_in_dim3A : f32 to vector<2x192xf32>
      %swap3A = arith.constant 0 : index
      %swap3A_28 = arith.constant 0 : index
      %swap3A_29 = vector.load %arg37[%swap3A, %swap3A_28] : memref<5x192xf32, #tpu.memory_space<vmem>>, vector<2x192xf32>
      tpu.vector_store %arg37[%swap3A, %swap3A_28], %broadcast_in_dim3A_27 {strides = array<i32>} : memref<5x192xf32, #tpu.memory_space<vmem>>, vector<2x192xf32>,
      %broadcast_in_dim3A_30 = arith.constant 0.000000e+00 : f32
      %broadcast_in_dim3A_31 = vector.broadcast %broadcast_in_dim3A_30 : f32 to vector<2x80xf32>
      %swap3A_32 = arith.constant 0 : index
      %swap3A_33 = arith.constant 0 : index
      %swap3A_34 = vector.load %arg38[%swap3A_32, %swap3A_33] : memref<4x80xf32, #tpu.memory_space<vmem>>, vector<2x80xf32>
      tpu.vector_store %arg38[%swap3A_32, %swap3A_33], %broadcast_in_dim3A_31 {strides = array<i32>} : memref<4x80xf32, #tpu.memory_space<vmem>>, vector<2x80xf32>,
      %broadcast_in_dim3A_35 = arith.constant 0.000000e+00 : f32
      %broadcast_in_dim3A_36 = vector.broadcast %broadcast_in_dim3A_35 : f32 to vector<2x16xf32>
      %swap3A_37 = arith.constant 0 : index
      %swap3A_38 = arith.constant 0 : index
      %swap3A_39 = vector.load %arg39[%swap3A_37, %swap3A_38] : memref<4x16xf32, #tpu.memory_space<vmem>>, vector<2x16xf32>
      tpu.vector_store %arg39[%swap3A_37, %swap3A_38], %broadcast_in_dim3A_36 {strides = array<i32>} : memref<4x16xf32, #tpu.memory_space<vmem>>, vector<2x16xf32>,
      %broadcast_in_dim3A_40 = arith.constant 0.000000e+00 : bf16
      %broadcast_in_dim3A_41 = vector.broadcast %broadcast_in_dim3A_40 : bf16 to vector<64x64xbf16>
      %get3A = arith.constant 0 : index
      %get3A_42 = arith.constant 0 : index
      %get3A_43 = vector.load %arg9[%get3A, %get3A_42] : memref<128x64xf32, #tpu.memory_space<vmem>>, vector<128x64xf32>
      %convert_element_type3A_44 = arith.truncf %get3A_43 : vector<128x64xf32> to vector<128x64xbf16>
      %get3A_45 = arith.constant 0 : index
      %get3A_46 = arith.constant 0 : index
      %get3A_47 = vector.load %arg2[%get3A_45, %get3A_46] : memref<64x64xf32, #tpu.memory_space<vmem>>, vector<64x64xf32>
      %convert_element_type3A_48 = arith.truncf %get3A_47 : vector<64x64xf32> to vector<64x64xbf16>
      %slice3A = vector.extract_strided_slice %convert_element_type3A_44 {offsets = [0, 0], sizes = [64, 64], strides = [1, 1]} : vector<128x64xbf16> to vector<64x64xbf16>
      %concatenate3A = tpu.concatenate %convert_element_type3A_48, %broadcast_in_dim3A_41, %slice3A in 1 : vector<64x64xbf16>, vector<64x64xbf16>, vector<64x64xbf16> -> vector<64x192xbf16>
      %swap3A_49 = arith.constant 0 : index
      %swap3A_50 = arith.constant 0 : index
      %swap3A_51 = vector.load %arg36[%swap3A_49, %swap3A_50] : memref<128x192xbf16, #tpu.memory_space<vmem>>, vector<64x192xbf16>
      tpu.vector_store %arg36[%swap3A_49, %swap3A_50], %concatenate3A {strides = array<i32>} : memref<128x192xbf16, #tpu.memory_space<vmem>>, vector<64x192xbf16>,
      %get3A_52 = arith.constant 0 : index
      %get3A_53 = arith.constant 0 : index
      %get3A_54 = vector.load %arg4[%get3A_52, %get3A_53] : memref<64x64xf32, #tpu.memory_space<vmem>>, vector<64x64xf32>
      %convert_element_type3A_55 = arith.truncf %get3A_54 : vector<64x64xf32> to vector<64x64xbf16>
      %slice3A_56 = vector.extract_strided_slice %convert_element_type3A_44 {offsets = [64, 0], sizes = [64, 64], strides = [1, 1]} : vector<128x64xbf16> to vector<64x64xbf16>
      %concatenate3A_57 = tpu.concatenate %broadcast_in_dim3A_41, %convert_element_type3A_55, %slice3A_56 in 1 : vector<64x64xbf16>, vector<64x64xbf16>, vector<64x64xbf16> -> vector<64x192xbf16>
      %swap3A_58 = arith.constant 64 : index
      %swap3A_59 = arith.constant 0 : index
      %swap3A_60 = vector.load %arg36[%swap3A_58, %swap3A_59] : memref<128x192xbf16, #tpu.memory_space<vmem>>, vector<64x192xbf16>
      tpu.vector_store %arg36[%swap3A_58, %swap3A_59], %concatenate3A_57 {strides = array<i32>} : memref<128x192xbf16, #tpu.memory_space<vmem>>, vector<64x192xbf16>,
      %get3A_61 = arith.constant 0 : index
      %get3A_62 = arith.constant 0 : index
      %get3A_63 = vector.load %arg12[%get3A_61, %get3A_62] : memref<1x64xf32, #tpu.memory_space<vmem>>, vector<1x64xf32>
      %get3A_64 = arith.constant 0 : index
      %get3A_65 = arith.constant 0 : index
      %get3A_66 = vector.load %arg14[%get3A_64, %get3A_65] : memref<1x64xf32, #tpu.memory_space<vmem>>, vector<1x64xf32>
      %get3A_67 = arith.constant 0 : index
      %get3A_68 = arith.constant 0 : index
      %get3A_69 = vector.load %arg19[%get3A_67, %get3A_68] : memref<1x64xf32, #tpu.memory_space<vmem>>, vector<1x64xf32>
      %concatenate3A_70 = tpu.concatenate %get3A_63, %get3A_66, %get3A_69 in 1 : vector<1x64xf32>, vector<1x64xf32>, vector<1x64xf32> -> vector<1x192xf32>
      %swap3A_71 = arith.constant 4 : index
      %swap3A_72 = arith.constant 0 : index
      %swap3A_73 = vector.load %arg37[%swap3A_71, %swap3A_72] : memref<5x192xf32, #tpu.memory_space<vmem>>, vector<1x192xf32>
      tpu.vector_store %arg37[%swap3A_71, %swap3A_72], %concatenate3A_70 {strides = array<i32>} : memref<5x192xf32, #tpu.memory_space<vmem>>, vector<1x192xf32>,
    } else {
    }
    %lt3A = arith.constant 2 : i32
    %lt3A_2 = arith.cmpi slt, %arg0, %lt3A : i32
    %convert_element_type3A_3 = arith.extui %lt3A_2 : i1 to i32
    %cond3A_4 = arith.constant 0 : i32
    %cond3A_5 = arith.cmpi ne, %convert_element_type3A_3, %cond3A_4 : i32
    scf.if %cond3A_5 {
      %get3A = arith.constant 0 : index
      %get3A_27 = arith.constant 0 : index
      %get3A_28 = vector.load %arg36[%get3A, %get3A_27] : memref<128x192xbf16, #tpu.memory_space<vmem>>, vector<128x192xbf16>
      %get3A_29 = arith.constant 4 : index
      %get3A_30 = arith.constant 0 : index
      %get3A_31 = vector.load %arg37[%get3A_29, %get3A_30] : memref<5x192xf32, #tpu.memory_space<vmem>>, vector<1x192xf32>
      %scan3A = arith.constant 0 : i32
      %scan3A_32 = arith.constant 4 : i32
      %scan3A_33 = arith.addi %scan3A, %scan3A_32 : i32
      %scan3A_34 = arith.constant 1 : i32
      scf.for %scan3A_36 = %scan3A to %scan3A_33 step %scan3A_34  : i32 {
        %mul3A = arith.constant 2048 : i32
        %mul3A_37 = arith.muli %scan3A_36, %mul3A : i32
        %get3A_38 = arith.index_cast %mul3A_37 : i32 to index
        %get3A_39 = arith.constant 0 : index
        %get3A_40 = vector.load %arg1[%get3A_38, %get3A_39] : memref<8192x128xf32, #tpu.memory_space<vmem>>, vector<2048x128xf32>
        %convert_element_type3A_41 = arith.truncf %get3A_40 : vector<2048x128xf32> to vector<2048x128xbf16>
        %dot_general3A = arith.constant dense<0.000000e+00> : vector<2048x192xf32>
        %dot_general3A_42 = tpu.matmul %convert_element_type3A_41, %get3A_28, %dot_general3A {dimension_numbers = #tpu.dot_dimension_numbers<[1], [0], [0], [1], [0, 0, 1, 1], [], []>, transpose_lhs_hint = false} : vector<2048x128xbf16>, vector<128x192xbf16>, vector<2048x192xf32> -> vector<2048x192xf32>
        %add3A = vector.broadcast %get3A_31 : vector<1x192xf32> to vector<2048x192xf32>
        %add3A_43 = arith.addf %dot_general3A_42, %add3A : vector<2048x192xf32>
        %mul3A_44 = arith.constant 8192 : i32
        %mul3A_45 = arith.muli %arg0, %mul3A_44 : i32
        %mul3A_46 = arith.constant 2048 : i32
        %mul3A_47 = arith.muli %scan3A_36, %mul3A_46 : i32
        %add3A_48 = arith.addi %mul3A_45, %mul3A_47 : i32
        %swap3A = arith.index_cast %add3A_48 : i32 to index
        %swap3A_49 = arith.constant 0 : index
        %swap3A_50 = vector.load %arg34[%swap3A, %swap3A_49] : memref<16384x192xf32, #tpu.memory_space<vmem>>, vector<2048x192xf32>
        tpu.vector_store %arg34[%swap3A, %swap3A_49], %add3A_43 {strides = array<i32>} : memref<16384x192xf32, #tpu.memory_space<vmem>>, vector<2048x192xf32>,
        %get3A_51 = arith.constant 0 : index
        %get3A_52 = arith.constant 0 : index
        %get3A_53 = vector.load %arg37[%get3A_51, %get3A_52] : memref<5x192xf32, #tpu.memory_space<vmem>>, vector<1x192xf32>
        %reduce_sum3A = arith.constant dense<0.000000e+00> : vector<192xf32>
        %reduce_sum3A_54 = vector.multi_reduction <add>, %add3A_43, %reduce_sum3A [0] : vector<2048x192xf32> to vector<192xf32>
        %broadcast_in_dim3A = vector.shape_cast %reduce_sum3A_54 : vector<192xf32> to vector<1x192xf32>
        %add3A_55 = arith.addf %get3A_53, %broadcast_in_dim3A : vector<1x192xf32>
        %swap3A_56 = arith.constant 0 : index
        %swap3A_57 = arith.constant 0 : index
        %swap3A_58 = vector.load %arg37[%swap3A_56, %swap3A_57] : memref<5x192xf32, #tpu.memory_space<vmem>>, vector<1x192xf32>
        tpu.vector_store %arg37[%swap3A_56, %swap3A_57], %add3A_55 {strides = array<i32>} : memref<5x192xf32, #tpu.memory_space<vmem>>, vector<1x192xf32>,
        %get3A_59 = arith.constant 1 : index
        %get3A_60 = arith.constant 0 : index
        %get3A_61 = vector.load %arg37[%get3A_59, %get3A_60] : memref<5x192xf32, #tpu.memory_space<vmem>>, vector<1x192xf32>
        %mul3A_62 = arith.mulf %add3A_43, %add3A_43 : vector<2048x192xf32>
        %reduce_sum3A_63 = arith.constant dense<0.000000e+00> : vector<192xf32>
        %reduce_sum3A_64 = vector.multi_reduction <add>, %mul3A_62, %reduce_sum3A_63 [0] : vector<2048x192xf32> to vector<192xf32>
        %broadcast_in_dim3A_65 = vector.shape_cast %reduce_sum3A_64 : vector<192xf32> to vector<1x192xf32>
        %add3A_66 = arith.addf %get3A_61, %broadcast_in_dim3A_65 : vector<1x192xf32>
        %swap3A_67 = arith.constant 1 : index
        %swap3A_68 = arith.constant 0 : index
        %swap3A_69 = vector.load %arg37[%swap3A_67, %swap3A_68] : memref<5x192xf32, #tpu.memory_space<vmem>>, vector<1x192xf32>
        tpu.vector_store %arg37[%swap3A_67, %swap3A_68], %add3A_66 {strides = array<i32>} : memref<5x192xf32, #tpu.memory_space<vmem>>, vector<1x192xf32>,
      }
      %scan3A_35 = arith.constant 4 : i32
    } else {
    }
    %eq3A_6 = arith.constant 2 : i32
    %eq3A_7 = arith.cmpi eq, %arg0, %eq3A_6 : i32
    %convert_element_type3A_8 = arith.extui %eq3A_7 : i1 to i32
    %cond3A_9 = arith.constant 0 : i32
    %cond3A_10 = arith.cmpi ne, %convert_element_type3A_8, %cond3A_9 : i32
    scf.if %cond3A_10 {
      %get3A = arith.constant 0 : index
      %get3A_27 = arith.constant 0 : index
      %get3A_28 = vector.load %arg37[%get3A, %get3A_27] : memref<5x192xf32, #tpu.memory_space<vmem>>, vector<1x192xf32>
      %mul3A = arith.constant 6.10351563E-5 : f32
      %mul3A_29 = vector.broadcast %mul3A : f32 to vector<1x192xf32>
      %mul3A_30 = arith.mulf %get3A_28, %mul3A_29 : vector<1x192xf32>
      %get3A_31 = arith.constant 1 : index
      %get3A_32 = arith.constant 0 : index
      %get3A_33 = vector.load %arg37[%get3A_31, %get3A_32] : memref<5x192xf32, #tpu.memory_space<vmem>>, vector<1x192xf32>
      %mul3A_34 = arith.constant 6.10351563E-5 : f32
      %mul3A_35 = vector.broadcast %mul3A_34 : f32 to vector<1x192xf32>
      %mul3A_36 = arith.mulf %get3A_33, %mul3A_35 : vector<1x192xf32>
      %mul3A_37 = arith.mulf %mul3A_30, %mul3A_30 : vector<1x192xf32>
      %sub3A = arith.subf %mul3A_36, %mul3A_37 : vector<1x192xf32>
      %get3A_38 = arith.constant 0 : index
      %get3A_39 = arith.constant 0 : index
      %get3A_40 = vector.load %arg21[%get3A_38, %get3A_39] : memref<1x64xf32, #tpu.memory_space<vmem>>, vector<1x64xf32>
      %get3A_41 = arith.constant 0 : index
      %get3A_42 = arith.constant 0 : index
      %get3A_43 = vector.load %arg23[%get3A_41, %get3A_42] : memref<1x64xf32, #tpu.memory_space<vmem>>, vector<1x64xf32>
      %get3A_44 = arith.constant 0 : index
      %get3A_45 = arith.constant 0 : index
      %get3A_46 = vector.load %arg29[%get3A_44, %get3A_45] : memref<1x64xf32, #tpu.memory_space<vmem>>, vector<1x64xf32>
      %concatenate3A = tpu.concatenate %get3A_40, %get3A_43, %get3A_46 in 1 : vector<1x64xf32>, vector<1x64xf32>, vector<1x64xf32> -> vector<1x192xf32>
      %get3A_47 = arith.constant 0 : index
      %get3A_48 = arith.constant 0 : index
      %get3A_49 = vector.load %arg22[%get3A_47, %get3A_48] : memref<1x64xf32, #tpu.memory_space<vmem>>, vector<1x64xf32>
      %get3A_50 = arith.constant 0 : index
      %get3A_51 = arith.constant 0 : index
      %get3A_52 = vector.load %arg24[%get3A_50, %get3A_51] : memref<1x64xf32, #tpu.memory_space<vmem>>, vector<1x64xf32>
      %get3A_53 = arith.constant 0 : index
      %get3A_54 = arith.constant 0 : index
      %get3A_55 = vector.load %arg30[%get3A_53, %get3A_54] : memref<1x64xf32, #tpu.memory_space<vmem>>, vector<1x64xf32>
      %concatenate3A_56 = tpu.concatenate %get3A_49, %get3A_52, %get3A_55 in 1 : vector<1x64xf32>, vector<1x64xf32>, vector<1x64xf32> -> vector<1x192xf32>
      %add3A = arith.constant 9.99999974E-6 : f32
      %add3A_57 = vector.broadcast %add3A : f32 to vector<1x192xf32>
      %add3A_58 = arith.addf %sub3A, %add3A_57 : vector<1x192xf32>
      %sqrt3A = math.sqrt %add3A_58 : vector<1x192xf32>
      %div3A = arith.divf %concatenate3A, %sqrt3A : vector<1x192xf32>
      %swap3A = arith.constant 2 : index
      %swap3A_59 = arith.constant 0 : index
      %swap3A_60 = vector.load %arg37[%swap3A, %swap3A_59] : memref<5x192xf32, #tpu.memory_space<vmem>>, vector<1x192xf32>
      tpu.vector_store %arg37[%swap3A, %swap3A_59], %div3A {strides = array<i32>} : memref<5x192xf32, #tpu.memory_space<vmem>>, vector<1x192xf32>,
      %mul3A_61 = arith.mulf %mul3A_30, %div3A : vector<1x192xf32>
      %sub3A_62 = arith.subf %concatenate3A_56, %mul3A_61 : vector<1x192xf32>
      %swap3A_63 = arith.constant 3 : index
      %swap3A_64 = arith.constant 0 : index
      %swap3A_65 = vector.load %arg37[%swap3A_63, %swap3A_64] : memref<5x192xf32, #tpu.memory_space<vmem>>, vector<1x192xf32>
      tpu.vector_store %arg37[%swap3A_63, %swap3A_64], %sub3A_62 {strides = array<i32>} : memref<5x192xf32, #tpu.memory_space<vmem>>, vector<1x192xf32>,
    } else {
    }
    %ge3A = arith.constant 2 : i32
    %ge3A_11 = arith.cmpi sge, %arg0, %ge3A : i32
    %lt3A_12 = arith.constant 4 : i32
    %lt3A_13 = arith.cmpi slt, %arg0, %lt3A_12 : i32
    %and3A = arith.andi %ge3A_11, %lt3A_13 : i1
    %convert_element_type3A_14 = arith.extui %and3A : i1 to i32
    %cond3A_15 = arith.constant 0 : i32
    %cond3A_16 = arith.cmpi ne, %convert_element_type3A_14, %cond3A_15 : i32
    scf.if %cond3A_16 {
      %sub3A = arith.constant 2 : i32
      %sub3A_27 = arith.subi %arg0, %sub3A : i32
      %get3A = arith.constant 0 : index
      %get3A_28 = arith.constant 0 : index
      %get3A_29 = vector.load %arg3[%get3A, %get3A_28] : memref<64x64xf32, #tpu.memory_space<vmem>>, vector<64x64xf32>
      %get3A_30 = arith.constant 0 : index
      %get3A_31 = arith.constant 0 : index
      %get3A_32 = vector.load %arg6[%get3A_30, %get3A_31] : memref<128x64xf32, #tpu.memory_space<vmem>>, vector<64x64xf32>
      %dot_general3A = arith.constant dense<0.000000e+00> : vector<64x64xf32>
      %dot_general3A_33 = tpu.matmul %get3A_29, %get3A_32, %dot_general3A {dimension_numbers = #tpu.dot_dimension_numbers<[1], [0], [0], [1], [0, 0, 1, 1], [], []>, transpose_lhs_hint = false} : vector<64x64xf32>, vector<64x64xf32>, vector<64x64xf32> -> vector<64x64xf32>
      %get3A_34 = arith.constant 0 : index
      %get3A_35 = arith.constant 0 : index
      %get3A_36 = vector.load %arg5[%get3A_34, %get3A_35] : memref<64x64xf32, #tpu.memory_space<vmem>>, vector<64x64xf32>
      %get3A_37 = arith.constant 64 : index
      %get3A_38 = arith.constant 0 : index
      %get3A_39 = vector.load %arg6[%get3A_37, %get3A_38] : memref<128x64xf32, #tpu.memory_space<vmem>>, vector<64x64xf32>
      %dot_general3A_40 = arith.constant dense<0.000000e+00> : vector<64x64xf32>
      %dot_general3A_41 = tpu.matmul %get3A_36, %get3A_39, %dot_general3A_40 {dimension_numbers = #tpu.dot_dimension_numbers<[1], [0], [0], [1], [0, 0, 1, 1], [], []>, transpose_lhs_hint = false} : vector<64x64xf32>, vector<64x64xf32>, vector<64x64xf32> -> vector<64x64xf32>
      %concatenate3A = tpu.concatenate %dot_general3A_33, %dot_general3A_41 in 0 : vector<64x64xf32>, vector<64x64xf32> -> vector<128x64xf32>
      %get3A_42 = arith.constant 0 : index
      %get3A_43 = arith.constant 0 : index
      %get3A_44 = vector.load %arg13[%get3A_42, %get3A_43] : memref<1x64xf32, #tpu.memory_space<vmem>>, vector<1x64xf32>
      %get3A_45 = arith.constant 0 : index
      %get3A_46 = arith.constant 0 : index
      %get3A_47 = vector.load %arg6[%get3A_45, %get3A_46] : memref<128x64xf32, #tpu.memory_space<vmem>>, vector<64x64xf32>
      %dot_general3A_48 = arith.constant dense<0.000000e+00> : vector<1x64xf32>
      %dot_general3A_49 = tpu.matmul %get3A_44, %get3A_47, %dot_general3A_48 {dimension_numbers = #tpu.dot_dimension_numbers<[1], [0], [0], [1], [0, 0, 1, 1], [], []>, transpose_lhs_hint = false} : vector<1x64xf32>, vector<64x64xf32>, vector<1x64xf32> -> vector<1x64xf32>
      %get3A_50 = arith.constant 0 : index
      %get3A_51 = arith.constant 0 : index
      %get3A_52 = vector.load %arg15[%get3A_50, %get3A_51] : memref<1x64xf32, #tpu.memory_space<vmem>>, vector<1x64xf32>
      %get3A_53 = arith.constant 64 : index
      %get3A_54 = arith.constant 0 : index
      %get3A_55 = vector.load %arg6[%get3A_53, %get3A_54] : memref<128x64xf32, #tpu.memory_space<vmem>>, vector<64x64xf32>
      %dot_general3A_56 = arith.constant dense<0.000000e+00> : vector<1x64xf32>
      %dot_general3A_57 = tpu.matmul %get3A_52, %get3A_55, %dot_general3A_56 {dimension_numbers = #tpu.dot_dimension_numbers<[1], [0], [0], [1], [0, 0, 1, 1], [], []>, transpose_lhs_hint = false} : vector<1x64xf32>, vector<64x64xf32>, vector<1x64xf32> -> vector<1x64xf32>
      %add3A = arith.addf %dot_general3A_49, %dot_general3A_57 : vector<1x64xf32>
      %get3A_58 = arith.constant 0 : index
      %get3A_59 = arith.constant 0 : index
      %get3A_60 = vector.load %arg16[%get3A_58, %get3A_59] : memref<1x64xf32, #tpu.memory_space<vmem>>, vector<1x64xf32>
      %add3A_61 = arith.addf %add3A, %get3A_60 : vector<1x64xf32>
      %broadcast_in_dim3A = arith.constant 0.000000e+00 : f32
      %broadcast_in_dim3A_62 = vector.broadcast %broadcast_in_dim3A : f32 to vector<128x16xf32>
      %concatenate3A_63 = tpu.concatenate %concatenate3A, %broadcast_in_dim3A_62 in 1 : vector<128x64xf32>, vector<128x16xf32> -> vector<128x80xf32>
      %broadcast_in_dim3A_64 = arith.constant 0.000000e+00 : f32
      %broadcast_in_dim3A_65 = vector.broadcast %broadcast_in_dim3A_64 : f32 to vector<64x64xf32>
      %get3A_66 = arith.constant 0 : index
      %get3A_67 = arith.constant 0 : index
      %get3A_68 = vector.load %arg10[%get3A_66, %get3A_67] : memref<64x16xf32, #tpu.memory_space<vmem>>, vector<64x16xf32>
      %concatenate3A_69 = tpu.concatenate %broadcast_in_dim3A_65, %get3A_68 in 1 : vector<64x64xf32>, vector<64x16xf32> -> vector<64x80xf32>
      %concatenate3A_70 = tpu.concatenate %concatenate3A_63, %concatenate3A_69 in 0 : vector<128x80xf32>, vector<64x80xf32> -> vector<192x80xf32>
      %convert_element_type3A_71 = arith.truncf %concatenate3A_70 : vector<192x80xf32> to vector<192x80xbf16>
      %get3A_72 = arith.constant 0 : index
      %get3A_73 = arith.constant 0 : index
      %get3A_74 = vector.load %arg20[%get3A_72, %get3A_73] : memref<1x16xf32, #tpu.memory_space<vmem>>, vector<1x16xf32>
      %concatenate3A_75 = tpu.concatenate %add3A_61, %get3A_74 in 1 : vector<1x64xf32>, vector<1x16xf32> -> vector<1x80xf32>
      %get3A_76 = arith.constant 2 : index
      %get3A_77 = arith.constant 0 : index
      %get3A_78 = vector.load %arg37[%get3A_76, %get3A_77] : memref<5x192xf32, #tpu.memory_space<vmem>>, vector<1x192xf32>
      %get3A_79 = arith.constant 3 : index
      %get3A_80 = arith.constant 0 : index
      %get3A_81 = vector.load %arg37[%get3A_79, %get3A_80] : memref<5x192xf32, #tpu.memory_space<vmem>>, vector<1x192xf32>
      %scan3A = arith.constant 0 : i32
      %scan3A_82 = arith.constant 4 : i32
      %scan3A_83 = arith.addi %scan3A, %scan3A_82 : i32
      %scan3A_84 = arith.constant 1 : i32
      scf.for %scan3A_86 = %scan3A to %scan3A_83 step %scan3A_84  : i32 {
        %mul3A = arith.constant 8192 : i32
        %mul3A_87 = arith.muli %sub3A_27, %mul3A : i32
        %mul3A_88 = arith.constant 2048 : i32
        %mul3A_89 = arith.muli %scan3A_86, %mul3A_88 : i32
        %add3A_90 = arith.addi %mul3A_87, %mul3A_89 : i32
        %get3A_91 = arith.index_cast %add3A_90 : i32 to index
        %get3A_92 = arith.constant 0 : index
        %get3A_93 = vector.load %arg34[%get3A_91, %get3A_92] : memref<16384x192xf32, #tpu.memory_space<vmem>>, vector<2048x192xf32>
        %mul3A_94 = vector.broadcast %get3A_78 : vector<1x192xf32> to vector<2048x192xf32>
        %mul3A_95 = arith.mulf %get3A_93, %mul3A_94 : vector<2048x192xf32>
        %add3A_96 = vector.broadcast %get3A_81 : vector<1x192xf32> to vector<2048x192xf32>
        %add3A_97 = arith.addf %mul3A_95, %add3A_96 : vector<2048x192xf32>
        %max3A = arith.constant 0.000000e+00 : f32
        %max3A_98 = vector.broadcast %max3A : f32 to vector<2048x192xf32>
        %max3A_99 = arith.maximumf %add3A_97, %max3A_98 : vector<2048x192xf32>
        %convert_element_type3A_100 = arith.truncf %max3A_99 : vector<2048x192xf32> to vector<2048x192xbf16>
        %dot_general3A_101 = arith.constant dense<0.000000e+00> : vector<2048x80xf32>
        %dot_general3A_102 = tpu.matmul %convert_element_type3A_100, %convert_element_type3A_71, %dot_general3A_101 {dimension_numbers = #tpu.dot_dimension_numbers<[1], [0], [0], [1], [0, 0, 1, 1], [], []>, transpose_lhs_hint = false} : vector<2048x192xbf16>, vector<192x80xbf16>, vector<2048x80xf32> -> vector<2048x80xf32>
        %add3A_103 = vector.broadcast %concatenate3A_75 : vector<1x80xf32> to vector<2048x80xf32>
        %add3A_104 = arith.addf %dot_general3A_102, %add3A_103 : vector<2048x80xf32>
        %mul3A_105 = arith.constant 8192 : i32
        %mul3A_106 = arith.muli %sub3A_27, %mul3A_105 : i32
        %mul3A_107 = arith.constant 2048 : i32
        %mul3A_108 = arith.muli %scan3A_86, %mul3A_107 : i32
        %add3A_109 = arith.addi %mul3A_106, %mul3A_108 : i32
        %swap3A = arith.index_cast %add3A_109 : i32 to index
        %swap3A_110 = arith.constant 0 : index
        %swap3A_111 = vector.load %arg35[%swap3A, %swap3A_110] : memref<16384x96xf32, #tpu.memory_space<vmem>>, vector<2048x80xf32>
        tpu.vector_store %arg35[%swap3A, %swap3A_110], %add3A_104 {strides = array<i32>} : memref<16384x96xf32, #tpu.memory_space<vmem>>, vector<2048x80xf32>,
        %get3A_112 = arith.constant 0 : index
        %get3A_113 = arith.constant 0 : index
        %get3A_114 = vector.load %arg38[%get3A_112, %get3A_113] : memref<4x80xf32, #tpu.memory_space<vmem>>, vector<1x80xf32>
        %reduce_sum3A = arith.constant dense<0.000000e+00> : vector<80xf32>
        %reduce_sum3A_115 = vector.multi_reduction <add>, %add3A_104, %reduce_sum3A [0] : vector<2048x80xf32> to vector<80xf32>
        %broadcast_in_dim3A_116 = vector.shape_cast %reduce_sum3A_115 : vector<80xf32> to vector<1x80xf32>
        %add3A_117 = arith.addf %get3A_114, %broadcast_in_dim3A_116 : vector<1x80xf32>
        %swap3A_118 = arith.constant 0 : index
        %swap3A_119 = arith.constant 0 : index
        %swap3A_120 = vector.load %arg38[%swap3A_118, %swap3A_119] : memref<4x80xf32, #tpu.memory_space<vmem>>, vector<1x80xf32>
        tpu.vector_store %arg38[%swap3A_118, %swap3A_119], %add3A_117 {strides = array<i32>} : memref<4x80xf32, #tpu.memory_space<vmem>>, vector<1x80xf32>,
        %get3A_121 = arith.constant 1 : index
        %get3A_122 = arith.constant 0 : index
        %get3A_123 = vector.load %arg38[%get3A_121, %get3A_122] : memref<4x80xf32, #tpu.memory_space<vmem>>, vector<1x80xf32>
        %mul3A_124 = arith.mulf %add3A_104, %add3A_104 : vector<2048x80xf32>
        %reduce_sum3A_125 = arith.constant dense<0.000000e+00> : vector<80xf32>
        %reduce_sum3A_126 = vector.multi_reduction <add>, %mul3A_124, %reduce_sum3A_125 [0] : vector<2048x80xf32> to vector<80xf32>
        %broadcast_in_dim3A_127 = vector.shape_cast %reduce_sum3A_126 : vector<80xf32> to vector<1x80xf32>
        %add3A_128 = arith.addf %get3A_123, %broadcast_in_dim3A_127 : vector<1x80xf32>
        %swap3A_129 = arith.constant 1 : index
        %swap3A_130 = arith.constant 0 : index
        %swap3A_131 = vector.load %arg38[%swap3A_129, %swap3A_130] : memref<4x80xf32, #tpu.memory_space<vmem>>, vector<1x80xf32>
        tpu.vector_store %arg38[%swap3A_129, %swap3A_130], %add3A_128 {strides = array<i32>} : memref<4x80xf32, #tpu.memory_space<vmem>>, vector<1x80xf32>,
      }
      %scan3A_85 = arith.constant 4 : i32
    } else {
    }
    %eq3A_17 = arith.constant 4 : i32
    %eq3A_18 = arith.cmpi eq, %arg0, %eq3A_17 : i32
    %convert_element_type3A_19 = arith.extui %eq3A_18 : i1 to i32
    %cond3A_20 = arith.constant 0 : i32
    %cond3A_21 = arith.cmpi ne, %convert_element_type3A_19, %cond3A_20 : i32
    scf.if %cond3A_21 {
      %get3A = arith.constant 0 : index
      %get3A_27 = arith.constant 0 : index
      %get3A_28 = vector.load %arg38[%get3A, %get3A_27] : memref<4x80xf32, #tpu.memory_space<vmem>>, vector<1x80xf32>
      %mul3A = arith.constant 6.10351563E-5 : f32
      %mul3A_29 = vector.broadcast %mul3A : f32 to vector<1x80xf32>
      %mul3A_30 = arith.mulf %get3A_28, %mul3A_29 : vector<1x80xf32>
      %get3A_31 = arith.constant 1 : index
      %get3A_32 = arith.constant 0 : index
      %get3A_33 = vector.load %arg38[%get3A_31, %get3A_32] : memref<4x80xf32, #tpu.memory_space<vmem>>, vector<1x80xf32>
      %mul3A_34 = arith.constant 6.10351563E-5 : f32
      %mul3A_35 = vector.broadcast %mul3A_34 : f32 to vector<1x80xf32>
      %mul3A_36 = arith.mulf %get3A_33, %mul3A_35 : vector<1x80xf32>
      %mul3A_37 = arith.mulf %mul3A_30, %mul3A_30 : vector<1x80xf32>
      %sub3A = arith.subf %mul3A_36, %mul3A_37 : vector<1x80xf32>
      %get3A_38 = arith.constant 0 : index
      %get3A_39 = arith.constant 0 : index
      %get3A_40 = vector.load %arg25[%get3A_38, %get3A_39] : memref<1x64xf32, #tpu.memory_space<vmem>>, vector<1x64xf32>
      %get3A_41 = arith.constant 0 : index
      %get3A_42 = arith.constant 0 : index
      %get3A_43 = vector.load %arg31[%get3A_41, %get3A_42] : memref<1x16xf32, #tpu.memory_space<vmem>>, vector<1x16xf32>
      %concatenate3A = tpu.concatenate %get3A_40, %get3A_43 in 1 : vector<1x64xf32>, vector<1x16xf32> -> vector<1x80xf32>
      %get3A_44 = arith.constant 0 : index
      %get3A_45 = arith.constant 0 : index
      %get3A_46 = vector.load %arg26[%get3A_44, %get3A_45] : memref<1x64xf32, #tpu.memory_space<vmem>>, vector<1x64xf32>
      %get3A_47 = arith.constant 0 : index
      %get3A_48 = arith.constant 0 : index
      %get3A_49 = vector.load %arg32[%get3A_47, %get3A_48] : memref<1x16xf32, #tpu.memory_space<vmem>>, vector<1x16xf32>
      %concatenate3A_50 = tpu.concatenate %get3A_46, %get3A_49 in 1 : vector<1x64xf32>, vector<1x16xf32> -> vector<1x80xf32>
      %add3A = arith.constant 9.99999974E-6 : f32
      %add3A_51 = vector.broadcast %add3A : f32 to vector<1x80xf32>
      %add3A_52 = arith.addf %sub3A, %add3A_51 : vector<1x80xf32>
      %sqrt3A = math.sqrt %add3A_52 : vector<1x80xf32>
      %div3A = arith.divf %concatenate3A, %sqrt3A : vector<1x80xf32>
      %swap3A = arith.constant 2 : index
      %swap3A_53 = arith.constant 0 : index
      %swap3A_54 = vector.load %arg38[%swap3A, %swap3A_53] : memref<4x80xf32, #tpu.memory_space<vmem>>, vector<1x80xf32>
      tpu.vector_store %arg38[%swap3A, %swap3A_53], %div3A {strides = array<i32>} : memref<4x80xf32, #tpu.memory_space<vmem>>, vector<1x80xf32>,
      %mul3A_55 = arith.mulf %mul3A_30, %div3A : vector<1x80xf32>
      %sub3A_56 = arith.subf %concatenate3A_50, %mul3A_55 : vector<1x80xf32>
      %swap3A_57 = arith.constant 3 : index
      %swap3A_58 = arith.constant 0 : index
      %swap3A_59 = vector.load %arg38[%swap3A_57, %swap3A_58] : memref<4x80xf32, #tpu.memory_space<vmem>>, vector<1x80xf32>
      tpu.vector_store %arg38[%swap3A_57, %swap3A_58], %sub3A_56 {strides = array<i32>} : memref<4x80xf32, #tpu.memory_space<vmem>>, vector<1x80xf32>,
      %slice3A = vector.extract_strided_slice %div3A {offsets = [0, 0], sizes = [1, 64], strides = [1, 1]} : vector<1x80xf32> to vector<1x64xf32>
      %mul3A_60 = arith.mulf %mul3A_30, %div3A : vector<1x80xf32>
      %sub3A_61 = arith.subf %concatenate3A_50, %mul3A_60 : vector<1x80xf32>
      %slice3A_62 = vector.extract_strided_slice %sub3A_61 {offsets = [0, 0], sizes = [1, 64], strides = [1, 1]} : vector<1x80xf32> to vector<1x64xf32>
      %get3A_63 = arith.constant 0 : index
      %get3A_64 = arith.constant 0 : index
      %get3A_65 = vector.load %arg7[%get3A_63, %get3A_64] : memref<64x16xf32, #tpu.memory_space<vmem>>, vector<64x16xf32>
      %convert_element_type3A_66 = arith.truncf %get3A_65 : vector<64x16xf32> to vector<64x16xbf16>
      %get3A_67 = arith.constant 0 : index
      %get3A_68 = arith.constant 0 : index
      %get3A_69 = vector.load %arg17[%get3A_67, %get3A_68] : memref<1x16xf32, #tpu.memory_space<vmem>>, vector<1x16xf32>
      %scan3A = arith.constant 0 : i32
      %scan3A_70 = arith.constant 8 : i32
      %scan3A_71 = arith.addi %scan3A, %scan3A_70 : i32
      %scan3A_72 = arith.constant 1 : i32
      scf.for %scan3A_74 = %scan3A to %scan3A_71 step %scan3A_72  : i32 {
        %mul3A_75 = arith.constant 2048 : i32
        %mul3A_76 = arith.muli %scan3A_74, %mul3A_75 : i32
        %get3A_77 = arith.index_cast %mul3A_76 : i32 to index
        %get3A_78 = arith.constant 0 : index
        %get3A_79 = vector.load %arg35[%get3A_77, %get3A_78] : memref<16384x96xf32, #tpu.memory_space<vmem>>, vector<2048x64xf32>
        %mul3A_80 = vector.broadcast %slice3A : vector<1x64xf32> to vector<2048x64xf32>
        %mul3A_81 = arith.mulf %get3A_79, %mul3A_80 : vector<2048x64xf32>
        %add3A_82 = vector.broadcast %slice3A_62 : vector<1x64xf32> to vector<2048x64xf32>
        %add3A_83 = arith.addf %mul3A_81, %add3A_82 : vector<2048x64xf32>
        %max3A = arith.constant 0.000000e+00 : f32
        %max3A_84 = vector.broadcast %max3A : f32 to vector<2048x64xf32>
        %max3A_85 = arith.maximumf %add3A_83, %max3A_84 : vector<2048x64xf32>
        %convert_element_type3A_86 = arith.truncf %max3A_85 : vector<2048x64xf32> to vector<2048x64xbf16>
        %dot_general3A = arith.constant dense<0.000000e+00> : vector<2048x16xf32>
        %dot_general3A_87 = tpu.matmul %convert_element_type3A_86, %convert_element_type3A_66, %dot_general3A {dimension_numbers = #tpu.dot_dimension_numbers<[1], [0], [0], [1], [0, 0, 1, 1], [], []>, transpose_lhs_hint = false} : vector<2048x64xbf16>, vector<64x16xbf16>, vector<2048x16xf32> -> vector<2048x16xf32>
        %add3A_88 = vector.broadcast %get3A_69 : vector<1x16xf32> to vector<2048x16xf32>
        %add3A_89 = arith.addf %dot_general3A_87, %add3A_88 : vector<2048x16xf32>
        %mul3A_90 = arith.constant 2048 : i32
        %mul3A_91 = arith.muli %scan3A_74, %mul3A_90 : i32
        %swap3A_92 = arith.index_cast %mul3A_91 : i32 to index
        %swap3A_93 = arith.constant 80 : index
        %swap3A_94 = vector.load %arg35[%swap3A_92, %swap3A_93] : memref<16384x96xf32, #tpu.memory_space<vmem>>, vector<2048x16xf32>
        tpu.vector_store %arg35[%swap3A_92, %swap3A_93], %add3A_89 {strides = array<i32>} : memref<16384x96xf32, #tpu.memory_space<vmem>>, vector<2048x16xf32>,
        %get3A_95 = arith.constant 0 : index
        %get3A_96 = arith.constant 0 : index
        %get3A_97 = vector.load %arg39[%get3A_95, %get3A_96] : memref<4x16xf32, #tpu.memory_space<vmem>>, vector<1x16xf32>
        %reduce_sum3A = arith.constant dense<0.000000e+00> : vector<16xf32>
        %reduce_sum3A_98 = vector.multi_reduction <add>, %add3A_89, %reduce_sum3A [0] : vector<2048x16xf32> to vector<16xf32>
        %broadcast_in_dim3A = vector.shape_cast %reduce_sum3A_98 : vector<16xf32> to vector<1x16xf32>
        %add3A_99 = arith.addf %get3A_97, %broadcast_in_dim3A : vector<1x16xf32>
        %swap3A_100 = arith.constant 0 : index
        %swap3A_101 = arith.constant 0 : index
        %swap3A_102 = vector.load %arg39[%swap3A_100, %swap3A_101] : memref<4x16xf32, #tpu.memory_space<vmem>>, vector<1x16xf32>
        tpu.vector_store %arg39[%swap3A_100, %swap3A_101], %add3A_99 {strides = array<i32>} : memref<4x16xf32, #tpu.memory_space<vmem>>, vector<1x16xf32>,
        %get3A_103 = arith.constant 1 : index
        %get3A_104 = arith.constant 0 : index
        %get3A_105 = vector.load %arg39[%get3A_103, %get3A_104] : memref<4x16xf32, #tpu.memory_space<vmem>>, vector<1x16xf32>
        %mul3A_106 = arith.mulf %add3A_89, %add3A_89 : vector<2048x16xf32>
        %reduce_sum3A_107 = arith.constant dense<0.000000e+00> : vector<16xf32>
        %reduce_sum3A_108 = vector.multi_reduction <add>, %mul3A_106, %reduce_sum3A_107 [0] : vector<2048x16xf32> to vector<16xf32>
        %broadcast_in_dim3A_109 = vector.shape_cast %reduce_sum3A_108 : vector<16xf32> to vector<1x16xf32>
        %add3A_110 = arith.addf %get3A_105, %broadcast_in_dim3A_109 : vector<1x16xf32>
        %swap3A_111 = arith.constant 1 : index
        %swap3A_112 = arith.constant 0 : index
        %swap3A_113 = vector.load %arg39[%swap3A_111, %swap3A_112] : memref<4x16xf32, #tpu.memory_space<vmem>>, vector<1x16xf32>
        tpu.vector_store %arg39[%swap3A_111, %swap3A_112], %add3A_110 {strides = array<i32>} : memref<4x16xf32, #tpu.memory_space<vmem>>, vector<1x16xf32>,
      }
      %scan3A_73 = arith.constant 8 : i32
    } else {
    }
    %eq3A_22 = arith.constant 5 : i32
    %eq3A_23 = arith.cmpi eq, %arg0, %eq3A_22 : i32
    %convert_element_type3A_24 = arith.extui %eq3A_23 : i1 to i32
    %cond3A_25 = arith.constant 0 : i32
    %cond3A_26 = arith.cmpi ne, %convert_element_type3A_24, %cond3A_25 : i32
    scf.if %cond3A_26 {
      %get3A = arith.constant 0 : index
      %get3A_27 = arith.constant 0 : index
      %get3A_28 = vector.load %arg39[%get3A, %get3A_27] : memref<4x16xf32, #tpu.memory_space<vmem>>, vector<1x16xf32>
      %mul3A = arith.constant 6.10351563E-5 : f32
      %mul3A_29 = vector.broadcast %mul3A : f32 to vector<1x16xf32>
      %mul3A_30 = arith.mulf %get3A_28, %mul3A_29 : vector<1x16xf32>
      %get3A_31 = arith.constant 1 : index
      %get3A_32 = arith.constant 0 : index
      %get3A_33 = vector.load %arg39[%get3A_31, %get3A_32] : memref<4x16xf32, #tpu.memory_space<vmem>>, vector<1x16xf32>
      %mul3A_34 = arith.constant 6.10351563E-5 : f32
      %mul3A_35 = vector.broadcast %mul3A_34 : f32 to vector<1x16xf32>
      %mul3A_36 = arith.mulf %get3A_33, %mul3A_35 : vector<1x16xf32>
      %mul3A_37 = arith.mulf %mul3A_30, %mul3A_30 : vector<1x16xf32>
      %sub3A = arith.subf %mul3A_36, %mul3A_37 : vector<1x16xf32>
      %get3A_38 = arith.constant 0 : index
      %get3A_39 = arith.constant 0 : index
      %get3A_40 = vector.load %arg27[%get3A_38, %get3A_39] : memref<1x16xf32, #tpu.memory_space<vmem>>, vector<1x16xf32>
      %add3A = arith.constant 9.99999974E-6 : f32
      %add3A_41 = vector.broadcast %add3A : f32 to vector<1x16xf32>
      %add3A_42 = arith.addf %sub3A, %add3A_41 : vector<1x16xf32>
      %sqrt3A = math.sqrt %add3A_42 : vector<1x16xf32>
      %div3A = arith.divf %get3A_40, %sqrt3A : vector<1x16xf32>
      %get3A_43 = arith.constant 0 : index
      %get3A_44 = arith.constant 0 : index
      %get3A_45 = vector.load %arg28[%get3A_43, %get3A_44] : memref<1x16xf32, #tpu.memory_space<vmem>>, vector<1x16xf32>
      %mul3A_46 = arith.mulf %mul3A_30, %div3A : vector<1x16xf32>
      %sub3A_47 = arith.subf %get3A_45, %mul3A_46 : vector<1x16xf32>
      %get3A_48 = arith.constant 2 : index
      %get3A_49 = arith.constant 64 : index
      %get3A_50 = vector.load %arg38[%get3A_48, %get3A_49] : memref<4x80xf32, #tpu.memory_space<vmem>>, vector<1x16xf32>
      %get3A_51 = arith.constant 3 : index
      %get3A_52 = arith.constant 64 : index
      %get3A_53 = vector.load %arg38[%get3A_51, %get3A_52] : memref<4x80xf32, #tpu.memory_space<vmem>>, vector<1x16xf32>
      %broadcast_in_dim3A = arith.constant 0.000000e+00 : f32
      %broadcast_in_dim3A_54 = vector.broadcast %broadcast_in_dim3A : f32 to vector<16x1xf32>
      %get3A_55 = arith.constant 0 : index
      %get3A_56 = arith.constant 0 : index
      %get3A_57 = vector.load %arg11[%get3A_55, %get3A_56] : memref<32x2xf32, #tpu.memory_space<vmem>>, vector<32x2xf32>
      %get3A_58 = arith.constant 0 : index
      %get3A_59 = arith.constant 0 : index
      %get3A_60 = vector.load %arg8[%get3A_58, %get3A_59] : memref<16x1xf32, #tpu.memory_space<vmem>>, vector<16x1xf32>
      %concatenate3A = tpu.concatenate %get3A_60, %broadcast_in_dim3A_54 in 0 : vector<16x1xf32>, vector<16x1xf32> -> vector<32x1xf32>
      %get3A_61 = arith.constant 0 : index
      %get3A_62 = arith.constant 0 : index
      %get3A_63 = vector.load %arg8[%get3A_61, %get3A_62] : memref<16x1xf32, #tpu.memory_space<vmem>>, vector<16x1xf32>
      %concatenate3A_64 = tpu.concatenate %broadcast_in_dim3A_54, %get3A_63 in 0 : vector<16x1xf32>, vector<16x1xf32> -> vector<32x1xf32>
      %concatenate3A_65 = tpu.concatenate %get3A_57, %concatenate3A, %concatenate3A_64 in 1 : vector<32x2xf32>, vector<32x1xf32>, vector<32x1xf32> -> vector<32x4xf32>
      %convert_element_type3A_66 = arith.truncf %concatenate3A_65 : vector<32x4xf32> to vector<32x4xbf16>
      %get3A_67 = arith.constant 0 : index
      %get3A_68 = arith.constant 0 : index
      %get3A_69 = vector.load %arg18[%get3A_67, %get3A_68] : memref<1x1xf32, #tpu.memory_space<vmem>>, vector<1x1xf32>
      %scan3A = arith.constant 0 : i32
      %scan3A_70 = arith.constant 8 : i32
      %scan3A_71 = arith.addi %scan3A, %scan3A_70 : i32
      %scan3A_72 = arith.constant 1 : i32
      scf.for %scan3A_74 = %scan3A to %scan3A_71 step %scan3A_72  : i32 {
        %mul3A_75 = arith.constant 2048 : i32
        %mul3A_76 = arith.muli %scan3A_74, %mul3A_75 : i32
        %get3A_77 = arith.index_cast %mul3A_76 : i32 to index
        %get3A_78 = arith.constant 80 : index
        %get3A_79 = vector.load %arg35[%get3A_77, %get3A_78] : memref<16384x96xf32, #tpu.memory_space<vmem>>, vector<2048x16xf32>
        %mul3A_80 = vector.broadcast %div3A : vector<1x16xf32> to vector<2048x16xf32>
        %mul3A_81 = arith.mulf %get3A_79, %mul3A_80 : vector<2048x16xf32>
        %add3A_82 = vector.broadcast %sub3A_47 : vector<1x16xf32> to vector<2048x16xf32>
        %add3A_83 = arith.addf %mul3A_81, %add3A_82 : vector<2048x16xf32>
        %max3A = arith.constant 0.000000e+00 : f32
        %max3A_84 = vector.broadcast %max3A : f32 to vector<2048x16xf32>
        %max3A_85 = arith.maximumf %add3A_83, %max3A_84 : vector<2048x16xf32>
        %mul3A_86 = arith.constant 2048 : i32
        %mul3A_87 = arith.muli %scan3A_74, %mul3A_86 : i32
        %get3A_88 = arith.index_cast %mul3A_87 : i32 to index
        %get3A_89 = arith.constant 64 : index
        %get3A_90 = vector.load %arg35[%get3A_88, %get3A_89] : memref<16384x96xf32, #tpu.memory_space<vmem>>, vector<2048x16xf32>
        %mul3A_91 = vector.broadcast %get3A_50 : vector<1x16xf32> to vector<2048x16xf32>
        %mul3A_92 = arith.mulf %get3A_90, %mul3A_91 : vector<2048x16xf32>
        %add3A_93 = vector.broadcast %get3A_53 : vector<1x16xf32> to vector<2048x16xf32>
        %add3A_94 = arith.addf %mul3A_92, %add3A_93 : vector<2048x16xf32>
        %max3A_95 = arith.constant 0.000000e+00 : f32
        %max3A_96 = vector.broadcast %max3A_95 : f32 to vector<2048x16xf32>
        %max3A_97 = arith.maximumf %add3A_94, %max3A_96 : vector<2048x16xf32>
        %concatenate3A_98 = tpu.concatenate %max3A_85, %max3A_97 in 1 : vector<2048x16xf32>, vector<2048x16xf32> -> vector<2048x32xf32>
        %convert_element_type3A_99 = arith.truncf %concatenate3A_98 : vector<2048x32xf32> to vector<2048x32xbf16>
        %dot_general3A = arith.constant dense<0.000000e+00> : vector<2048x4xf32>
        %dot_general3A_100 = tpu.matmul %convert_element_type3A_99, %convert_element_type3A_66, %dot_general3A {dimension_numbers = #tpu.dot_dimension_numbers<[1], [0], [0], [1], [0, 0, 1, 1], [], []>, transpose_lhs_hint = false} : vector<2048x32xbf16>, vector<32x4xbf16>, vector<2048x4xf32> -> vector<2048x4xf32>
        %slice3A = vector.extract_strided_slice %dot_general3A_100 {offsets = [0, 0], sizes = [2048, 2], strides = [1, 1]} : vector<2048x4xf32> to vector<2048x2xf32>
        %exp3A = math.exp %slice3A : vector<2048x2xf32>
        %slice3A_101 = vector.extract_strided_slice %exp3A {offsets = [0, 0], sizes = [2048, 1], strides = [1, 1]} : vector<2048x2xf32> to vector<2048x1xf32>
        %slice3A_102 = vector.extract_strided_slice %exp3A {offsets = [0, 1], sizes = [2048, 1], strides = [1, 1]} : vector<2048x2xf32> to vector<2048x1xf32>
        %slice3A_103 = vector.extract_strided_slice %dot_general3A_100 {offsets = [0, 2], sizes = [2048, 1], strides = [1, 1]} : vector<2048x4xf32> to vector<2048x1xf32>
        %mul3A_104 = arith.mulf %slice3A_101, %slice3A_103 : vector<2048x1xf32>
        %slice3A_105 = vector.extract_strided_slice %dot_general3A_100 {offsets = [0, 3], sizes = [2048, 1], strides = [1, 1]} : vector<2048x4xf32> to vector<2048x1xf32>
        %mul3A_106 = arith.mulf %slice3A_102, %slice3A_105 : vector<2048x1xf32>
        %add3A_107 = arith.addf %mul3A_104, %mul3A_106 : vector<2048x1xf32>
        %add3A_108 = arith.addf %slice3A_101, %slice3A_102 : vector<2048x1xf32>
        %div3A_109 = arith.divf %add3A_107, %add3A_108 : vector<2048x1xf32>
        %add3A_110 = vector.broadcast %get3A_69 : vector<1x1xf32> to vector<2048x1xf32>
        %add3A_111 = arith.addf %div3A_109, %add3A_110 : vector<2048x1xf32>
        %mul3A_112 = arith.constant 2048 : i32
        %mul3A_113 = arith.muli %scan3A_74, %mul3A_112 : i32
        %swap3A = arith.index_cast %mul3A_113 : i32 to index
        %swap3A_114 = arith.constant 0 : index
        %swap3A_115 = vector.load %arg33[%swap3A, %swap3A_114] : memref<16384x1xf32, #tpu.memory_space<vmem>>, vector<2048x1xf32>
        tpu.vector_store %arg33[%swap3A, %swap3A_114], %add3A_111 {strides = array<i32>} : memref<16384x1xf32, #tpu.memory_space<vmem>>, vector<2048x1xf32>,
      }
      %scan3A_73 = arith.constant 8 : i32
    } else {
    }
    return
  }
  func.func @transform_0(%arg0: i32) -> (i32, i32) {
    %min3A = arith.constant 1 : i32
    %min3A_0 = arith.minsi %arg0, %min3A : i32
    %c0_i32 = arith.constant 0 : i32
    %c0_i32_1 = arith.constant 0 : i32
    return %min3A_0, %c0_i32 : i32, i32
  }
  func.func @transform_1(%arg0: i32) -> (i32, i32) {
    %c0_i32 = arith.constant 0 : i32
    %c0_i32_0 = arith.constant 0 : i32
    %c0_i32_1 = arith.constant 0 : i32
    return %c0_i32, %c0_i32_0 : i32, i32
  }
  func.func @transform_2(%arg0: i32) -> (i32, i32) {
    %c0_i32 = arith.constant 0 : i32
    %c0_i32_0 = arith.constant 0 : i32
    %c0_i32_1 = arith.constant 0 : i32
    return %c0_i32, %c0_i32_0 : i32, i32
  }
  func.func @transform_3(%arg0: i32) -> (i32, i32) {
    %c0_i32 = arith.constant 0 : i32
    %c0_i32_0 = arith.constant 0 : i32
    %c0_i32_1 = arith.constant 0 : i32
    return %c0_i32, %c0_i32_0 : i32, i32
  }
  func.func @transform_4(%arg0: i32) -> (i32, i32) {
    %c0_i32 = arith.constant 0 : i32
    %c0_i32_0 = arith.constant 0 : i32
    %c0_i32_1 = arith.constant 0 : i32
    return %c0_i32, %c0_i32_0 : i32, i32
  }
  func.func @transform_5(%arg0: i32) -> (i32, i32) {
    %c0_i32 = arith.constant 0 : i32
    %c0_i32_0 = arith.constant 0 : i32
    %c0_i32_1 = arith.constant 0 : i32
    return %c0_i32, %c0_i32_0 : i32, i32
  }
  func.func @transform_6(%arg0: i32) -> (i32, i32) {
    %c0_i32 = arith.constant 0 : i32
    %c0_i32_0 = arith.constant 0 : i32
    %c0_i32_1 = arith.constant 0 : i32
    return %c0_i32, %c0_i32_0 : i32, i32
  }
  func.func @transform_7(%arg0: i32) -> (i32, i32) {
    %c0_i32 = arith.constant 0 : i32
    %c0_i32_0 = arith.constant 0 : i32
    %c0_i32_1 = arith.constant 0 : i32
    return %c0_i32, %c0_i32_0 : i32, i32
  }
  func.func @transform_8(%arg0: i32) -> (i32, i32) {
    %c0_i32 = arith.constant 0 : i32
    %c0_i32_0 = arith.constant 0 : i32
    %c0_i32_1 = arith.constant 0 : i32
    return %c0_i32, %c0_i32_0 : i32, i32
  }
  func.func @transform_9(%arg0: i32) -> (i32, i32) {
    %c0_i32 = arith.constant 0 : i32
    %c0_i32_0 = arith.constant 0 : i32
    %c0_i32_1 = arith.constant 0 : i32
    return %c0_i32, %c0_i32_0 : i32, i32
  }
  func.func @transform_10(%arg0: i32) -> (i32, i32) {
    %c0_i32 = arith.constant 0 : i32
    %c0_i32_0 = arith.constant 0 : i32
    %c0_i32_1 = arith.constant 0 : i32
    return %c0_i32, %c0_i32_0 : i32, i32
  }
  func.func @transform_11(%arg0: i32) -> (i32, i32) {
    %c0_i32 = arith.constant 0 : i32
    %c0_i32_0 = arith.constant 0 : i32
    %c0_i32_1 = arith.constant 0 : i32
    return %c0_i32, %c0_i32_0 : i32, i32
  }
  func.func @transform_12(%arg0: i32) -> (i32, i32) {
    %c0_i32 = arith.constant 0 : i32
    %c0_i32_0 = arith.constant 0 : i32
    %c0_i32_1 = arith.constant 0 : i32
    return %c0_i32, %c0_i32_0 : i32, i32
  }
  func.func @transform_13(%arg0: i32) -> (i32, i32) {
    %c0_i32 = arith.constant 0 : i32
    %c0_i32_0 = arith.constant 0 : i32
    %c0_i32_1 = arith.constant 0 : i32
    return %c0_i32, %c0_i32_0 : i32, i32
  }
  func.func @transform_14(%arg0: i32) -> (i32, i32) {
    %c0_i32 = arith.constant 0 : i32
    %c0_i32_0 = arith.constant 0 : i32
    %c0_i32_1 = arith.constant 0 : i32
    return %c0_i32, %c0_i32_0 : i32, i32
  }
  func.func @transform_15(%arg0: i32) -> (i32, i32) {
    %c0_i32 = arith.constant 0 : i32
    %c0_i32_0 = arith.constant 0 : i32
    %c0_i32_1 = arith.constant 0 : i32
    return %c0_i32, %c0_i32_0 : i32, i32
  }
  func.func @transform_16(%arg0: i32) -> (i32, i32) {
    %c0_i32 = arith.constant 0 : i32
    %c0_i32_0 = arith.constant 0 : i32
    %c0_i32_1 = arith.constant 0 : i32
    return %c0_i32, %c0_i32_0 : i32, i32
  }
  func.func @transform_17(%arg0: i32) -> (i32, i32) {
    %c0_i32 = arith.constant 0 : i32
    %c0_i32_0 = arith.constant 0 : i32
    %c0_i32_1 = arith.constant 0 : i32
    return %c0_i32, %c0_i32_0 : i32, i32
  }
  func.func @transform_18(%arg0: i32) -> (i32, i32) {
    %c0_i32 = arith.constant 0 : i32
    %c0_i32_0 = arith.constant 0 : i32
    %c0_i32_1 = arith.constant 0 : i32
    return %c0_i32, %c0_i32_0 : i32, i32
  }
  func.func @transform_19(%arg0: i32) -> (i32, i32) {
    %c0_i32 = arith.constant 0 : i32
    %c0_i32_0 = arith.constant 0 : i32
    %c0_i32_1 = arith.constant 0 : i32
    return %c0_i32, %c0_i32_0 : i32, i32
  }
  func.func @transform_20(%arg0: i32) -> (i32, i32) {
    %c0_i32 = arith.constant 0 : i32
    %c0_i32_0 = arith.constant 0 : i32
    %c0_i32_1 = arith.constant 0 : i32
    return %c0_i32, %c0_i32_0 : i32, i32
  }
  func.func @transform_21(%arg0: i32) -> (i32, i32) {
    %c0_i32 = arith.constant 0 : i32
    %c0_i32_0 = arith.constant 0 : i32
    %c0_i32_1 = arith.constant 0 : i32
    return %c0_i32, %c0_i32_0 : i32, i32
  }
  func.func @transform_22(%arg0: i32) -> (i32, i32) {
    %c0_i32 = arith.constant 0 : i32
    %c0_i32_0 = arith.constant 0 : i32
    %c0_i32_1 = arith.constant 0 : i32
    return %c0_i32, %c0_i32_0 : i32, i32
  }
  func.func @transform_23(%arg0: i32) -> (i32, i32) {
    %c0_i32 = arith.constant 0 : i32
    %c0_i32_0 = arith.constant 0 : i32
    %c0_i32_1 = arith.constant 0 : i32
    return %c0_i32, %c0_i32_0 : i32, i32
  }
  func.func @transform_24(%arg0: i32) -> (i32, i32) {
    %c0_i32 = arith.constant 0 : i32
    %c0_i32_0 = arith.constant 0 : i32
    %c0_i32_1 = arith.constant 0 : i32
    return %c0_i32, %c0_i32_0 : i32, i32
  }
  func.func @transform_25(%arg0: i32) -> (i32, i32) {
    %c0_i32 = arith.constant 0 : i32
    %c0_i32_0 = arith.constant 0 : i32
    %c0_i32_1 = arith.constant 0 : i32
    return %c0_i32, %c0_i32_0 : i32, i32
  }
  func.func @transform_26(%arg0: i32) -> (i32, i32) {
    %c0_i32 = arith.constant 0 : i32
    %c0_i32_0 = arith.constant 0 : i32
    %c0_i32_1 = arith.constant 0 : i32
    return %c0_i32, %c0_i32_0 : i32, i32
  }
  func.func @transform_27(%arg0: i32) -> (i32, i32) {
    %c0_i32 = arith.constant 0 : i32
    %c0_i32_0 = arith.constant 0 : i32
    %c0_i32_1 = arith.constant 0 : i32
    return %c0_i32, %c0_i32_0 : i32, i32
  }
  func.func @transform_28(%arg0: i32) -> (i32, i32) {
    %c0_i32 = arith.constant 0 : i32
    %c0_i32_0 = arith.constant 0 : i32
    %c0_i32_1 = arith.constant 0 : i32
    return %c0_i32, %c0_i32_0 : i32, i32
  }
  func.func @transform_29(%arg0: i32) -> (i32, i32) {
    %c0_i32 = arith.constant 0 : i32
    %c0_i32_0 = arith.constant 0 : i32
    %c0_i32_1 = arith.constant 0 : i32
    return %c0_i32, %c0_i32_0 : i32, i32
  }
  func.func @transform_30(%arg0: i32) -> (i32, i32) {
    %c0_i32 = arith.constant 0 : i32
    %c0_i32_0 = arith.constant 0 : i32
    %c0_i32_1 = arith.constant 0 : i32
    return %c0_i32, %c0_i32_0 : i32, i32
  }
  func.func @transform_31(%arg0: i32) -> (i32, i32) {
    %c0_i32 = arith.constant 0 : i32
    %c0_i32_0 = arith.constant 0 : i32
    %c0_i32_1 = arith.constant 0 : i32
    return %c0_i32, %c0_i32_0 : i32, i32
  }
  func.func @transform_32(%arg0: i32) -> (i32, i32) {
    %c0_i32 = arith.constant 0 : i32
    %c0_i32_0 = arith.constant 0 : i32
    %c0_i32_1 = arith.constant 0 : i32
    return %c0_i32, %c0_i32_0 : i32, i32
  }
}

</mosaic_0001>

<sc_bundles>
// kernel: kernel.4.cloned.1.call-start
scs
__scs_entry_jumppad:
0x0: {  	(pc) =	sbr.rel $0x88, $3  }
0x1: {  	(tag) =	ssettag $0x0;
	lr =	simm.s32 $0x1  }
0x2: {  	[smem:$0x3F7E] =	sst lr;
	_ =	strace $0xD0000000  }
0x3: {  	_ = 	snop  }
0x4: {  	_ = 	snop  }
0x5: {  	_ = 	snop  }
0x6: {  	_ = 	snop  }
0x7: {  	_ = 	snop  }
__scs_overlays_trampoline_lowered:
0x8: {  	[smem:$0x3F8D] =	sst s0  }
0x9: {  	[smem:$0x3F8E] =	sst s1  }
0xa: {  	[smem:$0x3F8F] =	sst s2  }
0xb: {  	[smem:$0x3F90] =	sst s3  }
0xc: {  	[smem:$0x3F91] =	sst s4  }
0xd: {  	[smem:$0x3F92] =	sst s5  }
0xe: {  	[smem:$0x3F93] =	sst s6  }
0xf: {  	[smem:$0x3F94] =	sst s7  }
0x10: {  	[smem:$0x3F95] =	sst s8  }
0x11: {  	[smem:$0x3F96] =	sst s9;
	s0 =	simm.s32 @!p0 $0x0  }
0x12: {  	s1 =	sld [smem:$0x3F7C];
	s0 =	simm.s32 @p0 $0x1  }
0x13: {  	[smem:$0x3F97] =	sst s0;
	s0 =	simm.s32 @!p1 $0x0  }
0x14: {  	s2 =	sld [smem:$0x3F7B];
	s0 =	simm.s32 @p1 $0x1  }
0x15: {  	[smem:$0x3F98] =	sst s0;
	s0 =	simm.s32 @!p2 $0x0  }
0x16: {  	s3 =	sld [smem:$0x3FDB];
	s0 =	simm.s32 @p2 $0x1  }
0x17: {  	s4 =	simm.s32 $0x1BF5;
	[smem:$0x3F9A] =	sst s0  }
0x18: {  	s0 =	sld [smem:$0x3F7D];
	_ =	swait.ge [sflag:s4], $0x0  }
0x19: {  	s7 =	sld [smem:$0x3F7E]  }
0x1a: {  	s8 =	sadd.s32 $0xFFFFE003, lr  }
0x1b: {  	s9 =	sadd.s32 $0xFFFFFEF7, lr;
	s5 =	simm.s32 $0xFFFFFFFF;
	p2 =	slt.u32 s8, $0xFFFFF086  }
0x1c: {  	p1 =	slt.u32 s9, $0xF7A;
	s5 =	simm.s32 @!p2 $0x0  }
0x1d: {  	s5 =	simm.s32 @p1 $0x1;
	p0 =	seq.s32 s7, s2  }
0x1e: {  	s7 =	smul.u32 @!p0 $0xF7A, s2;
	p2 =	seq.s32 @!p0 s5, $0x0  }
0x1f: {  	s9 =	smul.u32 $0xF7A, s1;
	s8 =	simm.s32 @!p0 $0x1BF5;
	p2 =	por !p2, p0  }
0x20: {  	[sflag:s8] =	ssyncset.s32 @!p0 $0xFFFFF086;
	s6 =	sadd.s32 @!p0 s3, s7;
	s7 =	simm.s32 @!p0 $0x108  }
0x21: {  	s3 =	sadd.s32 s3, s9;
	s6 =	sadd.s32 @!p0 $0x88, s6;
	s7 =	simm.s32 @p2 $0x1082  }
0x22: {  	[simem:s7], [sflag:s8] =	dma.local @!p0 [hbm:s6], $0xF7A  }
0x23: {  	s9 =	sor.u32 $0xD0000000, s2;
	s6 =	simm.s32 $0x108;
	_ =	swait.ge @!p0 [sflag:s8], $0x0  }
0x24: {  	s3 =	sadd.s32 $0x88, s3;
	s6 =	simm.s32 @!p1 $0x1082;
	[sflag:s4] =	ssyncset.s32 $0xFFFFF086  }
0x25: {  	[simem:s6], [sflag:s4] =	dma.local [hbm:s3], $0xF7A  }
0x26: {  	[smem:$0x3F7E] =	sst s1;
	(tag) =	ssettag s2;
	_ =	strace s9  }
0x27: {  	s1 =	sld [smem:$0x3F8E]  }
0x28: {  	s2 =	sld [smem:$0x3F8F]  }
0x29: {  	s4 =	sld [smem:$0x3F91]  }
0x2a: {  	p0 =	seq.s32 s5, $0x0;
	s5 =	sld [smem:$0x3F92]  }
0x2b: {  	s6 =	sld [smem:$0x3F93]  }
0x2c: {  	s7 =	sld [smem:$0x3F94]  }
0x2d: {  	s3 =	simm.s32 $0x108;
	s8 =	sld [smem:$0x3F95]  }
0x2e: {  	s3 =	simm.s32 @!p0 $0x1082;
	s9 =	sld [smem:$0x3F96]  }
0x2f: {  	lr =	sadd.s32 s0, s3;
	s0 =	sld [smem:$0x3F8D]  }
0x30: {  	s3 =	sld [smem:$0x3F90]  }
0x31: {  	[smem:$0x3F99] =	sst s10  }
0x32: {  	s10 =	sld [smem:$0x3F97];
	_ =	sdelay $0x3  }
0x33: {  	p0 =	seq.s32 s10, $0x1;
	s10 =	sld [smem:$0x3F99];
	_ =	sdelay $0x3  }
0x34: {  	[smem:$0x3F99] =	sst s10  }
0x35: {  	s10 =	sld [smem:$0x3F98];
	_ =	sdelay $0x3  }
0x36: {  	p1 =	seq.s32 s10, $0x1;
	s10 =	sld [smem:$0x3F99];
	_ =	sdelay $0x3  }
0x37: {  	[smem:$0x3F99] =	sst s10  }
0x38: {  	s10 =	sld [smem:$0x3F9A]  }
0x39: {  	_ = 	snop;
	(pc) =	sbr.ind lr, $3  }
0x3a: {  	_ = 	snop  }
0x3b: {  	_ = 	snop  }
0x3c: {  	p2 =	seq.s32 s10, $0x1;
	s10 =	sld [smem:$0x3F99]  }
0x3d: {  	_ =	shalt  }
0x3e: {  	_ =	shalt  }
0x3f: {  	_ =	shalt  }
0x40: {  	_ =	shalt  }
0x41: {  	_ =	shalt  }
0x42: {  	_ =	shalt  }
0x43: {  	_ =	shalt  }
0x44: {  	_ =	shalt  }
0x45: {  	_ =	shalt  }
0x46: {  	_ =	shalt  }
0x47: {  	_ =	shalt  }
0x48: {  	_ =	shalt  }
0x49: {  	_ =	shalt  }
0x4a: {  	_ =	shalt  }
0x4b: {  	_ =	shalt  }
0x4c: {  	_ =	shalt  }
0x4d: {  	_ =	shalt  }
0x4e: {  	_ =	shalt  }
0x4f: {  	_ =	shalt  }
0x50: {  	_ =	shalt  }
0x51: {  	_ =	shalt  }
0x52: {  	_ =	shalt  }
0x53: {  	_ =	shalt  }
0x54: {  	_ =	shalt  }
0x55: {  	_ =	shalt  }
0x56: {  	_ =	shalt  }
0x57: {  	_ =	shalt  }
0x58: {  	_ =	shalt  }
0x59: {  	_ =	shalt  }
0x5a: {  	_ =	shalt  }
0x5b: {  	_ =	shalt  }
0x5c: {  	_ =	shalt  }
0x5d: {  	_ =	shalt  }
0x5e: {  	_ =	shalt  }
0x5f: {  	_ =	shalt  }
0x60: {  	_ =	shalt  }
0x61: {  	_ =	shalt  }
0x62: {  	_ =	shalt  }
0x63: {  	_ =	shalt  }
0x64: {  	_ =	shalt  }
0x65: {  	_ =	shalt  }
0x66: {  	_ =	shalt  }
0x67: {  	_ =	shalt  }
0x68: {  	_ =	shalt  }
0x69: {  	_ =	shalt  }
0x6a: {  	_ =	shalt  }
0x6b: {  	_ =	shalt  }
0x6c: {  	_ =	shalt  }
0x6d: {  	_ =	shalt  }
0x6e: {  	_ =	shalt  }
0x6f: {  	_ =	shalt  }
0x70: {  	_ =	shalt  }
0x71: {  	_ =	shalt  }
0x72: {  	_ =	shalt  }
0x73: {  	_ =	shalt  }
0x74: {  	_ =	shalt  }
0x75: {  	_ =	shalt  }
0x76: {  	_ =	shalt  }
0x77: {  	_ =	shalt  }
0x78: {  	_ =	shalt  }
0x79: {  	_ =	shalt  }
0x7a: {  	_ =	shalt  }
0x7b: {  	_ =	shalt  }
0x7c: {  	_ =	shalt  }
0x7d: {  	_ =	shalt  }
0x7e: {  	_ =	shalt  }
0x7f: {  	_ =	shalt  }
0x80: {  	_ =	shalt  }
0x81: {  	_ =	shalt  }
0x82: {  	_ =	shalt  }
0x83: {  	_ =	shalt  }
0x84: {  	_ =	shalt  }
0x85: {  	_ =	shalt  }
0x86: {  	_ =	shalt  }
0x87: {  	_ =	shalt  }
.Lfunc_end0:
.L_simem_size_0:
called_computation_lowered:
.L_overlay_start_0:
0x88: {  	s2 =	sld [smem:$0x3FD9]  }
0x89: {  	s3 =	sld [smem:$0x3FFE];
	_ =	sdelay $0x1  }
0x8a: {  	s1 =	srdreg.scid  }
0x8b: {  	s0 =	sand.u32 $0x1, s1  }
0x8c: {  	s17 =	sshll.u32 s0, $0xA;
	s2 =	sadd.s32 s3, s2  }
0x8d: {  	s2 =	sadd.s32 s2, s17  }
0x8e: {  	[smem:$0x3FA5] =	sst s2  }
0x8f: {  	_ = 	snop  }
0x90: {  	s2 =	sld [smem:$0x3FC9]  }
0x91: {  	s18 =	sld [smem:$0x3FC8];
	(tm) =	ssettm $0x1  }
0x92: {  	s4 =	sld [smem:$0x3FFB];
	_ =	sdelay $0x3  }
0x93: {  	_ =	strace s4  }
0x94: {  	s4 =	sld [smem:$0x3FFC];
	_ =	sdelay $0x3  }
0x95: {  	_ =	strace s4  }
0x96: {  	s4 =	sld [smem:$0x3FFD];
	_ =	sdelay $0x3  }
0x97: {  	_ =	strace s4  }
0x98: {  	_ =	strace $0x8FFFFFFF  }
0x99: {  	s19 =	sld [smem:$0x3FDB];
	_ =	sdelay $0x1  }
0x9a: {  	s5 =	simm.s32 $_scs_section_size  }
0x9b: {  	s6 =	simm.s32 $_size__tile_overlayer_lowered;
	s7 =	simm.s32 $_tile_overlayer_lowered  }
0x9c: {  	s22 =	simm.s32 $0x1BFF;
	s21 =	sshll.u32 s7, $0x1;
	s4 =	sadd.s32 s5, s19  }
0x9d: {  	s8 =	simm.s32 $0x0;
	s20 =	sshll.u32 s6, $0x1;
	s6 =	sadd.s32 s21, s4  }
0x9e: {  	[timem:s8], [sflag:s22] =	dma.local [hbm:s6], s20  }
0x9f: {  	_ =	swait.ge [sflag:s22], s20  }
0xa0: {  	s5 =	ssub.s32 $0x0, s20;
	[sflag:s22] =	ssyncset.done $0x0  }
0xa1: {  	[sflag:s22] =	ssyncadd.s32 s5;
	_ =	sdelay $0x1  }
0xa2: {  	s23 =	simm.s32 $0x1B8B  }
0xa3: {  	_ =	swait.ge [sflag:s23], $0x1  }
0xa4: {  	[sflag:s23] =	ssyncset.done $0x0  }
0xa5: {  	s25 =	simm.s32 $0x1B8E;
	s24 =	sld [smem:$0x3FFE];
	[sflag:s23] =	ssyncadd.s32 $0xFFFFFFFF  }
0xa6: {  	s26 =	simm.s32 $execute0_lowered;
	[smem:$0x3FD2] =	sst s25  }
0xa7: {  	s6 =	sshll.u32 s26, $0x1;
	_ =	strace $0x80000046;
	[dreg:$0x1] =	wrdreg $0xFFFFFFFF  }
0xa8: {  	s28 =	simm.s32 $_size_execute0_lowered;
	s4 =	sadd.s32 s4, s6;
	[dreg:$0x0] =	wrdreg $0x0  }
0xa9: {  	s6 =	sshll.u32 s28, $0x1;
	[dreg:$0x2] =	wrdreg s4  }
0xaa: {  	[dreg:$0x3] =	wrdreg s6  }
0xab: {  	[dreg:$0x4] =	wrdreg $0xC0  }
0xac: {  	_ =	task [dreg:s8], $0x5FFFF  }
0xad: {  	[dreg:$0x1] =	wrdreg $0xFFFFFFFF  }
0xae: {  	[dreg:$0x0] =	wrdreg $0x60  }
0xaf: {  	[dreg:$0x2] =	wrdreg s24  }
0xb0: {  	[dreg:$0x3] =	wrdreg s2  }
0xb1: {  	[dreg:$0x4] =	wrdreg s18  }
0xb2: {  	[dreg:$0x5] =	wrdreg $0x9  }
0xb3: {  	_ =	task.clear_ibuf [dreg:s8], $0x6FFFF;
	_ =	strace $0x90000046  }
0xb4: {  	s29 =	simm.s32 $0x9;
	_ =	strace $0x80000048  }
0xb5: {  	_ =	swait.ge [sflag:s29], $0x1  }
0xb6: {  	[sflag:s29] =	ssyncadd.s32 $0xFFFFFFFF  }
0xb7: {  	_ =	strace $0x90000048  }
0xb8: {  	_ =	sfence  }
0xb9: {  	s30 =	sld [smem:$0x0];
	_ =	sdelay $0x2  }
0xba: {  	s31 =	sshll.u32 s1, $0xD;
	s1 =	sshrl.u32 s1, $0x2  }
0xbb: {  	s3 =	sand.u32 $0x4000, s31;
	s1 =	sadd.s32 s1, s30  }
0xbc: {  	s0 =	sor.u32 s3, s0;
	s1 =	sshll.u32 s1, $0x11  }
0xbd: {  	s0 =	sor.u32 s1, s0  }
0xbe: {  	s0 =	sadd.s32 $0x8F2B, s0  }
0xbf: {  	[sflag:s0] =	ssyncadd.remote.s32 $0x1  }
0xc0: {  	_ =	sfence.sel $0xFFFF  }
0xc1: {  	[dreg:$0x0] =	wrdreg $0xFFFFFFFF;
	(pc) =	sbr.abs _section_cstart, $3  }
0xc2: {  	[dreg:$0x1] =	wrdreg $0xFFFFFFFF  }
0xc3: {  	_ =	task.clear_ibuf [dreg:s8], $0x2FFFF;
	_ =	strace $0x9FFFFFFF  }
0xc4: {  	(tm) =	ssettm $0x7FFFFFFF  }
0xc5: {  	_ =	shalt  }
tec
execute0_lowered:
.L_overlay_start_1:
0x0: {  	(tag) =	ssettag $0x1  }
0x1: {  	s25 =	rddreg [dreg:$0x0]  }
0x2: {  	s3 =	rddreg [dreg:$0x1]  }
0x3: {  	s1 =	srdreg.scid;
	s0 =	stileid.u32  }
0x4: {  	s5 =	rddreg [dreg:$0x2];
	s26 =	sand.u32 $0x1, s1;
	s4 =	sshll.u32 s0, $0x1  }
0x5: {  	s2 =	simm.s32 $0x0;
	s1 =	rddreg [dreg:$0x3];
	s28 =	sor.u32 s26, s4  }
0x6: {  	[smem:$0x7FF] =	sst s2;
	s6 =	sshll.u32 s28, $0x6  }
0x7: {  	_ =	strace $0x80000047;
	s4 =	sadd.s32 s3, s6;
	s3 =	simm.s32 $0x3  }
0x8: {  	[tilespmem:s2], [sflag:$0x3] =	stream.linear.gather [hbm4b:s4+s2], $0x200, $0x38;
	[tilespmem:$0x10400] =	vst v63  }
0x9: {  	_ =	swait.ge [sflag:s3], $0x200  }
0xa: {  	[sflag:s3] =	ssyncset.done $0x0  }
0xb: {  	s5 =	sadd.s32 s5, s6;
	s6 =	simm.s32 $0x200;
	[sflag:s3] =	ssyncadd.s32 $0xFFFFFE00  }
0xc: {  	[tilespmem:s6], [sflag:$0x3] =	stream.linear.gather [hbm4b:s5+s2], $0x200, $0x38;
	[tilespmem:$0x10400] =	vst v63  }
0xd: {  	_ =	swait.ge [sflag:s3], $0x200  }
0xe: {  	s8 =	simm.s32 $0x80;
	[sflag:s3] =	ssyncset.done $0x0  }
0xf: {  	s9 =	simm.s32 $0x400;
	s7 =	sadd.s32 $0x24FA00, s25;
	[sflag:s3] =	ssyncadd.s32 $0xFFFFFE00  }
0x10: {  	[tilespmem:s9], [sflag:$0x1] =	stream.indirect.gather [hbm4b:s7+s8], $0x40, s2, s8, $0xb8;
	[tilespmem:$0x10400] =	vst v63  }
0x11: {  	s11 =	simm.s32 $0x8400;
	s10 =	sadd.s32 $0x18C400, s25  }
0x12: {  	[tilespmem:s11], [sflag:$0x2] =	stream.indirect.gather [hbm4b:s10+s8], $0x40, s6, s8, $0xb8;
	[tilespmem:$0x10400] =	vst v63  }
0x13: {  	s12 =	simm.s32 $0x2400  }
0x14: {  	[tilespmem:s12], [sflag:$0x1] =	stream.indirect.gather [hbm4b:s7+s8], $0x40, s8, s8, $0xb8;
	[tilespmem:$0x10400] =	vst v63  }
0x15: {  	s13 =	simm.s32 $0x280;
	s14 =	simm.s32 $0xA400  }
0x16: {  	[tilespmem:s14], [sflag:$0x2] =	stream.indirect.gather [hbm4b:s10+s8], $0x40, s13, s8, $0xb8;
	[tilespmem:$0x10400] =	vst v63  }
0x17: {  	s15 =	simm.s32 $0x100;
	s16 =	simm.s32 $0x4400  }
0x18: {  	[tilespmem:s16], [sflag:$0x1] =	stream.indirect.gather [hbm4b:s7+s8], $0x40, s15, s8, $0xb8;
	[tilespmem:$0x10400] =	vst v63  }
0x19: {  	s17 =	simm.s32 $0x300;
	s18 =	simm.s32 $0xC400  }
0x1a: {  	[tilespmem:s18], [sflag:$0x2] =	stream.indirect.gather [hbm4b:s10+s8], $0x40, s17, s8, $0xb8;
	[tilespmem:$0x10400] =	vst v63  }
0x1b: {  	s19 =	simm.s32 $0x180;
	s20 =	simm.s32 $0x6400  }
0x1c: {  	[tilespmem:s20], [sflag:$0x1] =	stream.indirect.gather [hbm4b:s7+s8], $0x40, s19, s8, $0xb8;
	[tilespmem:$0x10400] =	vst v63  }
0x1d: {  	s21 =	simm.s32 $0x380;
	s22 =	simm.s32 $0xE400;
	s23 =	simm.s32 $0x1  }
0x1e: {  	[tilespmem:s22], [sflag:$0x2] =	stream.indirect.gather [hbm4b:s10+s8], $0x40, s21, s8, $0xb8;
	[tilespmem:$0x10400] =	vst v63  }
0x1f: {  	_ =	swait.ge [sflag:s23], $0x2000  }
0x20: {  	[sflag:s23] =	ssyncset.done $0x0  }
0x21: {  	s24 =	simm.s32 $0x2;
	[sflag:s23] =	ssyncadd.s32 $0xFFFFE000  }
0x22: {  	_ =	swait.ge [sflag:s24], $0x2000  }
0x23: {  	[sflag:s24] =	ssyncset.done $0x0  }
0x24: {  	[sflag:s24] =	ssyncadd.s32 $0xFFFFE000  }
0x25: {  	_ =	swait.ge [sflag:s23], $0x2000  }
0x26: {  	[sflag:s23] =	ssyncset.done $0x0  }
0x27: {  	[sflag:s23] =	ssyncadd.s32 $0xFFFFE000  }
0x28: {  	_ =	swait.ge [sflag:s24], $0x2000  }
0x29: {  	[sflag:s24] =	ssyncset.done $0x0  }
0x2a: {  	[sflag:s24] =	ssyncadd.s32 $0xFFFFE000  }
0x2b: {  	_ =	swait.ge [sflag:s23], $0x2000  }
0x2c: {  	[sflag:s23] =	ssyncset.done $0x0  }
0x2d: {  	[sflag:s23] =	ssyncadd.s32 $0xFFFFE000  }
0x2e: {  	_ =	swait.ge [sflag:s24], $0x2000  }
0x2f: {  	[sflag:s24] =	ssyncset.done $0x0  }
0x30: {  	[sflag:s24] =	ssyncadd.s32 $0xFFFFE000  }
0x31: {  	_ =	swait.ge [sflag:s23], $0x2000  }
0x32: {  	[sflag:s23] =	ssyncset.done $0x0  }
0x33: {  	s29 =	ssub.s32 $0x2, s26;
	s26 =	simm.s32 $0x40;
	[sflag:s23] =	ssyncadd.s32 $0xFFFFE000  }
0x34: {  	s28 =	sshll.u32 s28, $0xD;
	s30 =	sshrl.u32 s29, $0x1;
	_ =	swait.ge [sflag:s24], $0x2000  }
0x35: {  	s28 =	sadd.s32 s28, s25;
	s29 =	ssub.s32 s29, s30;
	[sflag:s24] =	ssyncset.done $0x0  }
0x36: {  	s25 =	sadd.s32 $0x5A00, s28;
	s29 =	smax.u32 s29, $0x1;
	[sflag:s24] =	ssyncadd.s32 $0xFFFFE000  }
0x37: {  	[hbm4b:s25+s26] =	stream.strided.scatter [tilespmem:s9], [sflag:$0x3], $0x8000, s8, s26, $0x38;
	[tilespmem:$0x10400] =	vst v63  }
0x38: {  	p0 =	sne.s32 s29, $0x1;
	_ =	swait.ge [sflag:s3], $0x8000  }
.Ltmp0:
0x39: {  	[sflag:s3] =	ssyncset.done $0x0;
	(pc) =	sbr.rel @!p0 .LBB2_2-.Ltmp0, $4  }
0x3a: {  	s28 =	sadd.s32 $0x5A08, s28;
	[sflag:s3] =	ssyncadd.s32 $0xFFFF8000  }
0x3b: {  	[hbm4b:s28+s26] =	stream.strided.scatter [tilespmem:s11], [sflag:$0x3], $0x8000, s8, s26, $0x38;
	[tilespmem:$0x10400] =	vst v63  }
0x3c: {  	_ =	swait.ge [sflag:s3], $0x8000  }
0x3d: {  	s29 =	sadd.s32 $0xFFFFFFFF, s29;
	[sflag:s3] =	ssyncset.done $0x0  }
.LBB2_1:
0x3e: {  	p0 =	sne.s32 s29, $0x1;
	s29 =	sadd.s32 $0xFFFFFFFF, s29;
	[sflag:s3] =	ssyncadd.s32 $0xFFFF8000  }
0x3f: {  	[tilespmem:s2], [sflag:$0x3] =	stream.linear.gather [hbm4b:s4+s2], $0x200, $0x38;
	[tilespmem:$0x10400] =	vst v63  }
0x40: {  	_ =	swait.ge [sflag:s3], $0x200  }
0x41: {  	[sflag:s3] =	ssyncset.done $0x0  }
0x42: {  	[sflag:s3] =	ssyncadd.s32 $0xFFFFFE00  }
0x43: {  	[tilespmem:s6], [sflag:$0x3] =	stream.linear.gather [hbm4b:s5+s2], $0x200, $0x38;
	[tilespmem:$0x10400] =	vst v63  }
0x44: {  	_ =	swait.ge [sflag:s3], $0x200  }
0x45: {  	[sflag:s3] =	ssyncset.done $0x0  }
0x46: {  	[sflag:s3] =	ssyncadd.s32 $0xFFFFFE00  }
0x47: {  	[tilespmem:s9], [sflag:$0x1] =	stream.indirect.gather [hbm4b:s7+s8], $0x40, s2, s8, $0xb8;
	[tilespmem:$0x10400] =	vst v63  }
0x48: {  	_ = 	snop  }
0x49: {  	[tilespmem:s11], [sflag:$0x2] =	stream.indirect.gather [hbm4b:s10+s8], $0x40, s6, s8, $0xb8;
	[tilespmem:$0x10400] =	vst v63  }
0x4a: {  	_ = 	snop  }
0x4b: {  	[tilespmem:s12], [sflag:$0x1] =	stream.indirect.gather [hbm4b:s7+s8], $0x40, s8, s8, $0xb8;
	[tilespmem:$0x10400] =	vst v63  }
0x4c: {  	_ = 	snop  }
0x4d: {  	[tilespmem:s14], [sflag:$0x2] =	stream.indirect.gather [hbm4b:s10+s8], $0x40, s13, s8, $0xb8;
	[tilespmem:$0x10400] =	vst v63  }
0x4e: {  	_ = 	snop  }
0x4f: {  	[tilespmem:s16], [sflag:$0x1] =	stream.indirect.gather [hbm4b:s7+s8], $0x40, s15, s8, $0xb8;
	[tilespmem:$0x10400] =	vst v63  }
0x50: {  	_ = 	snop  }
0x51: {  	[tilespmem:s18], [sflag:$0x2] =	stream.indirect.gather [hbm4b:s10+s8], $0x40, s17, s8, $0xb8;
	[tilespmem:$0x10400] =	vst v63  }
0x52: {  	_ = 	snop  }
0x53: {  	[tilespmem:s20], [sflag:$0x1] =	stream.indirect.gather [hbm4b:s7+s8], $0x40, s19, s8, $0xb8;
	[tilespmem:$0x10400] =	vst v63  }
0x54: {  	_ = 	snop  }
0x55: {  	[tilespmem:s22], [sflag:$0x2] =	stream.indirect.gather [hbm4b:s10+s8], $0x40, s21, s8, $0xb8;
	[tilespmem:$0x10400] =	vst v63  }
0x56: {  	_ =	swait.ge [sflag:s23], $0x2000  }
0x57: {  	[sflag:s23] =	ssyncset.done $0x0  }
0x58: {  	[sflag:s23] =	ssyncadd.s32 $0xFFFFE000  }
0x59: {  	_ =	swait.ge [sflag:s24], $0x2000  }
0x5a: {  	[sflag:s24] =	ssyncset.done $0x0  }
0x5b: {  	[sflag:s24] =	ssyncadd.s32 $0xFFFFE000  }
0x5c: {  	_ =	swait.ge [sflag:s23], $0x2000  }
0x5d: {  	[sflag:s23] =	ssyncset.done $0x0  }
0x5e: {  	[sflag:s23] =	ssyncadd.s32 $0xFFFFE000  }
0x5f: {  	_ =	swait.ge [sflag:s24], $0x2000  }
0x60: {  	[sflag:s24] =	ssyncset.done $0x0  }
0x61: {  	[sflag:s24] =	ssyncadd.s32 $0xFFFFE000  }
0x62: {  	_ =	swait.ge [sflag:s23], $0x2000  }
0x63: {  	[sflag:s23] =	ssyncset.done $0x0  }
0x64: {  	[sflag:s23] =	ssyncadd.s32 $0xFFFFE000  }
0x65: {  	_ =	swait.ge [sflag:s24], $0x2000  }
0x66: {  	[sflag:s24] =	ssyncset.done $0x0  }
0x67: {  	[sflag:s24] =	ssyncadd.s32 $0xFFFFE000  }
0x68: {  	_ =	swait.ge [sflag:s23], $0x2000  }
0x69: {  	[sflag:s23] =	ssyncset.done $0x0  }
0x6a: {  	[sflag:s23] =	ssyncadd.s32 $0xFFFFE000  }
0x6b: {  	_ =	swait.ge [sflag:s24], $0x2000  }
0x6c: {  	[sflag:s24] =	ssyncset.done $0x0  }
0x6d: {  	[sflag:s24] =	ssyncadd.s32 $0xFFFFE000  }
0x6e: {  	[hbm4b:s25+s26] =	stream.strided.scatter [tilespmem:s9], [sflag:$0x3], $0x8000, s8, s26, $0x38;
	[tilespmem:$0x10400] =	vst v63  }
0x6f: {  	_ =	swait.ge [sflag:s3], $0x8000  }
.Ltmp1:
0x70: {  	[sflag:s3] =	ssyncset.done $0x0;
	(pc) =	sbr.rel @p0 .LBB2_1-.Ltmp1, $4  }
0x71: {  	[sflag:s3] =	ssyncadd.s32 $0xFFFF8000  }
0x72: {  	[hbm4b:s28+s26] =	stream.strided.scatter [tilespmem:s11], [sflag:$0x3], $0x8000, s8, s26, $0x38;
	[tilespmem:$0x10400] =	vst v63  }
0x73: {  	_ =	swait.ge [sflag:s3], $0x8000  }
0x74: {  	[sflag:s3] =	ssyncset.done $0x0  }
.LBB2_2:
0x75: {  	[sflag:s3] =	ssyncadd.s32 $0xFFFF8000  }
0x76: {  	_ =	sfence.sel $0x180000  }
0x77: {  	[bflag:$0x0] =	sbarrier.arrive $0xFFFF  }
0x78: {  	p0 =	sne.s32 s0, $0x0;
	_ =	strace $0x90000047  }
0x79: {  	s0 =	sadd.s32 @!p0 $0x100000, s1;
	[bflag:$0x2] =	sbarrier.arrive $0xFFFF  }
0x7a: {  	[sflag:s0] =	ssyncadd.tile.s32 @!p0 $0x1;
	_ =	shalt  }
.Lfunc_end2:
_tile_overlayer_lowered:
.L_overlay_start_2:
0x7b: {  	(tag) =	ssettag $0x2  }
0x7c: {  	s0 =	rddreg [dreg:$0x0];
	s2 =	stileid.u32  }
0x7d: {  	s1 =	rddreg [dreg:$0x1];
	p0 =	sne.s32 s2, $0x0  }
0x7e: {  	s3 =	rddreg [dreg:$0x2];
	[bflag:$0x3] =	sbarrier.arrive $0xFFFF;
	s2 =	simm.s32 @!p0 $0x1C03  }
0x7f: {  	[timem:s3], [sflag:s2] =	dma.local @!p0 [hbm:s0], s1  }
0x80: {  	s0 =	simm.s32 @!p0 $0x3  }
0x81: {  	_ =	swait.ge @!p0 [sflag:s0], s1  }
0x82: {  	s1 =	ssub.s32 @!p0 $0x0, s1;
	[sflag:s0] =	ssyncset.done @!p0 $0x0  }
0x83: {  	[sflag:s0] =	ssyncadd.s32 @!p0 s1  }
0x84: {  	[bflag:$0x3] =	sbarrier.arrive $0xFFFF  }
0x85: {  	_ =	shalt  }

</sc_bundles>
